<compile_context>
chip_gen: v7x
topology: tpu7x:2x2x1
jax: 0.10.2.dev20260603
libtpu: 0.0.44.dev20260713+nightly
codegen_flags: <defaults>
</compile_context>

<pallas_src>
import dataclasses
import functools

import jax
import jax.numpy as jnp
from jax import lax
from jax.experimental import pallas as pl
from jax.experimental.pallas import tpu as pltpu
from jax.experimental.pallas import tpu_sc as plsc

BATCH = 16384
EMBED_DIM = 128
NUM_GENRES = 32
HIDDEN_DIM = 1024

NC = 2
NS = 16
NW = NC * NS
BPW = BATCH // NW
CHUNK = 128
NCHUNK = BPW // CHUNK
NLANE = 16


BIAS_PAD = 100096


def _sc_gather(user_emb, movie_emb, ubt, mbt, uidx2, midx2, nbatch):
    bpw = nbatch // NW
    nchunk = bpw // CHUNK
    seg = BIAS_PAD // NS
    mesh = plsc.VectorSubcoreMesh(core_axis_name="c", subcore_axis_name="s")
    out_types = (
        jax.ShapeDtypeStruct((nbatch, 2 * EMBED_DIM), jnp.float32),
        jax.ShapeDtypeStruct((nbatch,), jnp.float32),
    )

    cp = pltpu.CompilerParams()
    if "needs_layout_passes" in pltpu.CompilerParams.__dataclass_fields__:
        cp = dataclasses.replace(cp, needs_layout_passes=False)

    @functools.partial(
        pl.kernel,
        mesh=mesh,
        out_type=out_types,
        compiler_params=cp,
        scratch_types=[
            pltpu.VMEM((nchunk, CHUNK), jnp.int32),
            pltpu.VMEM((nchunk, CHUNK), jnp.int32),
            pltpu.VMEM((bpw, EMBED_DIM), jnp.float32),
            pltpu.VMEM((bpw, EMBED_DIM), jnp.float32),
            pltpu.VMEM((nchunk, CHUNK), jnp.float32),
            pltpu.VMEM((nchunk, CHUNK), jnp.float32),
            pltpu.VMEM((bpw,), jnp.float32),
            pltpu.VMEM((seg,), jnp.float32),
            pltpu.VMEM((seg,), jnp.float32),
            pltpu.VMEM_SHARED((BIAS_PAD,), jnp.float32),
            pltpu.VMEM_SHARED((BIAS_PAD,), jnp.float32),
            pltpu.SemaphoreType.DMA,
            pltpu.SemaphoreType.DMA,
            pltpu.SemaphoreType.DMA,
        ],
    )
    def k(uemb, memb, ubt_r, mbt_r, uidx, midx, out_um, out_bias,
          uidx_v, midx_v, urows_v, mrows_v, ubuf, mbuf, bias_v,
          ustage_v, mstage_v, ub_sh, mb_sh, sem, ssem, bsem):
        sid = lax.axis_index("s")
        wid = sid * NC + lax.axis_index("c")
        base = wid * bpw
        row0 = wid * nchunk

        pltpu.sync_copy(uidx.at[pl.ds(row0, nchunk)], uidx_v)
        pltpu.sync_copy(midx.at[pl.ds(row0, nchunk)], midx_v)
        row_cps = [
            pltpu.async_copy(uemb.at[uidx_v.at[j]],
                             urows_v.at[pl.ds(j * CHUNK, CHUNK)], sem)
            for j in range(nchunk)
        ] + [
            pltpu.async_copy(memb.at[midx_v.at[j]],
                             mrows_v.at[pl.ds(j * CHUNK, CHUNK)], sem)
            for j in range(nchunk)
        ]
        off = sid * seg
        pltpu.sync_copy(ubt_r.at[pl.ds(off, seg)], ustage_v)
        pltpu.sync_copy(mbt_r.at[pl.ds(off, seg)], mstage_v)
        st = [
            pltpu.async_copy(ustage_v, ub_sh.at[pl.ds(off, seg)], ssem),
            pltpu.async_copy(mstage_v, mb_sh.at[pl.ds(off, seg)], ssem),
        ]
        for c in st:
            c.wait()
        plsc.subcore_barrier()
        bias_cps = [
            pltpu.async_copy(ub_sh.at[uidx_v.at[j]], ubuf.at[j], bsem)
            for j in range(nchunk)
        ] + [
            pltpu.async_copy(mb_sh.at[midx_v.at[j]], mbuf.at[j], bsem)
            for j in range(nchunk)
        ]
        for c in row_cps:
            c.wait()
        pltpu.sync_copy(urows_v,
                        out_um.at[pl.ds(base, bpw), pl.ds(0, EMBED_DIM)])
        pltpu.sync_copy(
            mrows_v,
            out_um.at[pl.ds(base, bpw), pl.ds(EMBED_DIM, EMBED_DIM)])
        for c in bias_cps:
            c.wait()
        for j in range(nchunk):
            for b in range(CHUNK // NLANE):
                src = pl.ds(b * NLANE, NLANE)
                dst = pl.ds(j * CHUNK + b * NLANE, NLANE)
                bias_v[dst] = ubuf[j, src] + mbuf[j, src]
        pltpu.sync_copy(bias_v, out_bias.at[pl.ds(base, bpw)])

    return k(user_emb, movie_emb, ubt, mbt, uidx2, midx2)


B_BLK = 4096


def _mlp_body(um_ref, g_ref, w1_ref, b1_ref, w2_ref, bias_ref, c_ref, o_ref):
    um = um_ref[...].astype(jnp.bfloat16)
    f = jnp.concatenate([um, g_ref[...]], axis=1)
    h = jnp.dot(f, w1_ref[...], preferred_element_type=jnp.float32)
    h = jnp.maximum(h + b1_ref[...], 0.0).astype(jnp.bfloat16)
    s = jnp.dot(h, w2_ref[...], preferred_element_type=jnp.float32)
    o_ref[...] = s.reshape(B_BLK) + bias_ref[...] + c_ref[0]


def _mlp(um_rows, genre, w1, b1r, w2, bias_sum, cvec, nbatch):
    grid = (nbatch // B_BLK,)
    return pl.pallas_call(
        _mlp_body,
        grid=grid,
        in_specs=[
            pl.BlockSpec((B_BLK, 2 * EMBED_DIM), lambda i: (i, 0)),
            pl.BlockSpec((B_BLK, NUM_GENRES), lambda i: (i, 0)),
            pl.BlockSpec((2 * EMBED_DIM + NUM_GENRES, HIDDEN_DIM),
                         lambda i: (0, 0)),
            pl.BlockSpec((1, HIDDEN_DIM), lambda i: (0, 0)),
            pl.BlockSpec((HIDDEN_DIM, 1), lambda i: (0, 0)),
            pl.BlockSpec((B_BLK,), lambda i: (i,)),
            pl.BlockSpec((1,), lambda i: (0,)),
        ],
        out_specs=pl.BlockSpec((B_BLK,), lambda i: (i,)),
        out_shape=jax.ShapeDtypeStruct((nbatch,), jnp.float32),
    )(um_rows, genre, w1, b1r, w2, bias_sum, cvec)


def _pad_bias(tab):
    return jnp.pad(tab[:, 0], (0, BIAS_PAD - tab.shape[0]))


NSPLIT = 2
HBATCH = BATCH // NSPLIT


def kernel(user_indices, movie_indices, genre_features, user_emb, movie_emb,
           user_bias_tab, movie_bias_tab, global_bias, W1, b1, W2, b2):
    uidx = user_indices.astype(jnp.int32)
    midx = movie_indices.astype(jnp.int32)
    ubt2 = _pad_bias(user_bias_tab)
    mbt2 = _pad_bias(movie_bias_tab)
    w1_bf = W1.astype(jnp.bfloat16)
    b1r = b1.reshape(1, HIDDEN_DIM)
    w2_bf = W2.astype(jnp.bfloat16)
    genre_bf = genre_features.astype(jnp.bfloat16)

    gathered = []
    for k in range(NSPLIT):
        lo = k * HBATCH
        u2 = lax.dynamic_slice_in_dim(uidx, lo, HBATCH).reshape(
            HBATCH // CHUNK, CHUNK)
        m2 = lax.dynamic_slice_in_dim(midx, lo, HBATCH).reshape(
            HBATCH // CHUNK, CHUNK)
        gathered.append(
            _sc_gather(user_emb, movie_emb, ubt2, mbt2, u2, m2, HBATCH))
    cvec = (b2 + global_bias).astype(jnp.float32)
    outs = []
    for k in range(NSPLIT):
        um_rows, bias_sum = gathered[k]
        g = lax.dynamic_slice_in_dim(genre_bf, k * HBATCH, HBATCH)
        outs.append(
            _mlp(um_rows, g, w1_bf, b1r, w2_bf, bias_sum, cvec, HBATCH))
    return jnp.concatenate(outs)

# --- scband reference (transcript-rebuilt; emitter-appended) ---
"""Pipeline reference for scband-hybrid-rating-mlp-6674379178793 (READ-ONLY COPY).

The authoritative reference and input builder live on the scoring server;
editing this copy changes nothing except your own understanding.
"""

import jax, jax.numpy as jnp
import numpy as np

NUM_USERS = 100000
NUM_MOVIES = 100000
NUM_GENRES = 32
EMBED_DIM = 128
HIDDEN_DIM = 1024
BATCH = 16384


def setup_inputs(seed: int = 0) -> dict:
    key = jax.random.key(seed)
    ks = jax.random.split(key, 12)
    user_indices = jax.random.randint(ks[0], (BATCH,), 0, NUM_USERS, dtype=jnp.int64 if jax.config.jax_enable_x64 else jnp.int32)
    movie_indices = jax.random.randint(ks[1], (BATCH,), 0, NUM_MOVIES, dtype=jnp.int64 if jax.config.jax_enable_x64 else jnp.int32)
    genre_features = jax.random.uniform(ks[2], (BATCH, NUM_GENRES), dtype=jnp.float32)
    user_emb = jax.random.normal(ks[3], (NUM_USERS, EMBED_DIM), dtype=jnp.float32)
    movie_emb = jax.random.normal(ks[4], (NUM_MOVIES, EMBED_DIM), dtype=jnp.float32)
    user_bias_tab = jax.random.normal(ks[5], (NUM_USERS, 1), dtype=jnp.float32) * 0.01
    movie_bias_tab = jax.random.normal(ks[6], (NUM_MOVIES, 1), dtype=jnp.float32) * 0.01
    global_bias = jnp.zeros((1,), dtype=jnp.float32)
    in_dim = EMBED_DIM * 2 + NUM_GENRES
    W1 = jax.random.normal(ks[7], (in_dim, HIDDEN_DIM), dtype=jnp.float32) * (1.0 / np.sqrt(in_dim))
    b1 = jnp.zeros((HIDDEN_DIM,), dtype=jnp.float32)
    W2 = jax.random.normal(ks[8], (HIDDEN_DIM, 1), dtype=jnp.float32) * (1.0 / np.sqrt(HIDDEN_DIM))
    b2 = jnp.zeros((1,), dtype=jnp.float32)
    return {
        "user_indices": user_indices,
        "movie_indices": movie_indices,
        "genre_features": genre_features,
        "user_emb": user_emb,
        "movie_emb": movie_emb,
        "user_bias_tab": user_bias_tab,
        "movie_bias_tab": movie_bias_tab,
        "global_bias": global_bias,
        "W1": W1,
        "b1": b1,
        "W2": W2,
        "b2": b2,
    }


def reference(user_indices, movie_indices, genre_features, user_emb, movie_emb,
              user_bias_tab, movie_bias_tab, global_bias, W1, b1, W2, b2):
    user_vectors = jnp.take(user_emb, user_indices, axis=0)
    movie_vectors = jnp.take(movie_emb, movie_indices, axis=0)
    features = jnp.concatenate([user_vectors, movie_vectors, genre_features], axis=1)
    h = jnp.maximum(features @ W1 + b1, 0.0)  # dropout p=0.0 (eval) -> no-op
    mlp_score = (h @ W2 + b2)[:, 0]
    user_bias = jnp.take(user_bias_tab, user_indices, axis=0)[:, 0]
    movie_bias = jnp.take(movie_bias_tab, movie_indices, axis=0)[:, 0]
    return global_bias + user_bias + movie_bias + mlp_score

if __name__ == "__main__":
    import jax
    _d = setup_inputs()
    print(jax.jit(kernel)(*tuple(_d.values())))

</pallas_src>

<mosaic_0001>
#map = affine_map<(d0, d1) -> (0, 0)>
#map1 = affine_map<(d0, d1) -> (0)>
module attributes {stable_mosaic.version = 14 : i64} {
  func.func @k(%arg0: i32, %arg1: i32, %arg2: memref<100000x128xf32, #tpu.memory_space<hbm>>, %arg3: memref<100000x128xf32, #tpu.memory_space<hbm>>, %arg4: memref<100096xf32, #tpu.memory_space<hbm>>, %arg5: memref<100096xf32, #tpu.memory_space<hbm>>, %arg6: memref<64x128xi32, #tpu.memory_space<hbm>>, %arg7: memref<64x128xi32, #tpu.memory_space<hbm>>, %arg8: memref<8192x256xf32, #tpu.memory_space<hbm>>, %arg9: memref<8192xf32, #tpu.memory_space<hbm>>, %arg10: memref<2x128xi32, #tpu.memory_space<vmem>>, %arg11: memref<2x128xi32, #tpu.memory_space<vmem>>, %arg12: memref<256x128xf32, #tpu.memory_space<vmem>>, %arg13: memref<256x128xf32, #tpu.memory_space<vmem>>, %arg14: memref<2x128xf32, #tpu.memory_space<vmem>>, %arg15: memref<2x128xf32, #tpu.memory_space<vmem>>, %arg16: memref<256xf32, #tpu.memory_space<vmem>>, %arg17: memref<6256xf32, #tpu.memory_space<vmem>>, %arg18: memref<6256xf32, #tpu.memory_space<vmem>>, %arg19: memref<100096xf32, #tpu.memory_space<vmem_shared>>, %arg20: memref<100096xf32, #tpu.memory_space<vmem_shared>>, %arg21: memref<!tpu.dma_semaphore, #tpu.memory_space<semaphore_mem>>, %arg22: memref<!tpu.dma_semaphore, #tpu.memory_space<semaphore_mem>>, %arg23: memref<!tpu.dma_semaphore, #tpu.memory_space<semaphore_mem>>) attributes {dimension_semantics = [#tpu.dimension_semantics<core_parallel>, #tpu.dimension_semantics<subcore_parallel>], iteration_bounds = array<i64: 2, 16>, scalar_prefetch = 0 : i64, scratch_operands = 14 : i64, tpu.core_type = #tpu.core_type<sc_vector_subcore>, window_params = [{transform_indices = #map}, {transform_indices = #map}, {transform_indices = #map1}, {transform_indices = #map1}, {transform_indices = #map}, {transform_indices = #map}, {transform_indices = #map}, {transform_indices = #map1}]} {
    %mul3A = arith.constant 2 : i32
    %mul3A_0 = arith.muli %arg1, %mul3A : i32
    %add3A = arith.addi %mul3A_0, %arg0 : i32
    %mul3A_1 = arith.constant 256 : i32
    %mul3A_2 = arith.muli %add3A, %mul3A_1 : i32
    %mul3A_3 = arith.constant 2 : i32
    %mul3A_4 = arith.muli %add3A, %mul3A_3 : i32
    "tpu.region"() ({
      %run_scoped3A = tpu.sem_alloc : memref<!tpu.dma_semaphore, #tpu.memory_space<semaphore_mem>>
      %dma_start3A_347 = arith.constant 0 : i32
      %dma_start3A_348 = tpu.memref_slice %arg6[%mul3A_4, %dma_start3A_347] : memref<64x128xi32, #tpu.memory_space<hbm>> -> memref<2x128xi32, #tpu.memory_space<hbm>>
      %dma_start3A_349 = arith.constant 0 : i32
      %dma_start3A_350 = tpu.memref_slice %arg6[%mul3A_4, %dma_start3A_349] : memref<64x128xi32, #tpu.memory_space<hbm>> -> memref<2x128xi32, #tpu.memory_space<hbm>>
      tpu.enqueue_dma source(%dma_start3A_350 : memref<2x128xi32, #tpu.memory_space<hbm>>) target(%arg10 : memref<2x128xi32, #tpu.memory_space<vmem>>) target_semaphore(%run_scoped3A : memref<!tpu.dma_semaphore, #tpu.memory_space<semaphore_mem>>)
      %dma_wait3A_351 = arith.constant 0 : i32
      %dma_wait3A_352 = tpu.memref_slice %arg6[%mul3A_4, %dma_wait3A_351] : memref<64x128xi32, #tpu.memory_space<hbm>> -> memref<2x128xi32, #tpu.memory_space<hbm>>
      %dma_wait3A_353 = arith.constant 0 : i32
      %dma_wait3A_354 = tpu.memref_slice %arg6[%mul3A_4, %dma_wait3A_353] : memref<64x128xi32, #tpu.memory_space<hbm>> -> memref<2x128xi32, #tpu.memory_space<hbm>>
      tpu.wait_dma2 semaphore(%run_scoped3A : memref<!tpu.dma_semaphore, #tpu.memory_space<semaphore_mem>>) src(%dma_wait3A_354 : memref<2x128xi32, #tpu.memory_space<hbm>>) dst(%arg10 : memref<2x128xi32, #tpu.memory_space<vmem>>)
      tpu.yield
    }) : () -> ()
    "tpu.region"() ({
      %run_scoped3A = tpu.sem_alloc : memref<!tpu.dma_semaphore, #tpu.memory_space<semaphore_mem>>
      %dma_start3A_347 = arith.constant 0 : i32
      %dma_start3A_348 = tpu.memref_slice %arg7[%mul3A_4, %dma_start3A_347] : memref<64x128xi32, #tpu.memory_space<hbm>> -> memref<2x128xi32, #tpu.memory_space<hbm>>
      %dma_start3A_349 = arith.constant 0 : i32
      %dma_start3A_350 = tpu.memref_slice %arg7[%mul3A_4, %dma_start3A_349] : memref<64x128xi32, #tpu.memory_space<hbm>> -> memref<2x128xi32, #tpu.memory_space<hbm>>
      tpu.enqueue_dma source(%dma_start3A_350 : memref<2x128xi32, #tpu.memory_space<hbm>>) target(%arg11 : memref<2x128xi32, #tpu.memory_space<vmem>>) target_semaphore(%run_scoped3A : memref<!tpu.dma_semaphore, #tpu.memory_space<semaphore_mem>>)
      %dma_wait3A_351 = arith.constant 0 : i32
      %dma_wait3A_352 = tpu.memref_slice %arg7[%mul3A_4, %dma_wait3A_351] : memref<64x128xi32, #tpu.memory_space<hbm>> -> memref<2x128xi32, #tpu.memory_space<hbm>>
      %dma_wait3A_353 = arith.constant 0 : i32
      %dma_wait3A_354 = tpu.memref_slice %arg7[%mul3A_4, %dma_wait3A_353] : memref<64x128xi32, #tpu.memory_space<hbm>> -> memref<2x128xi32, #tpu.memory_space<hbm>>
      tpu.wait_dma2 semaphore(%run_scoped3A : memref<!tpu.dma_semaphore, #tpu.memory_space<semaphore_mem>>) src(%dma_wait3A_354 : memref<2x128xi32, #tpu.memory_space<hbm>>) dst(%arg11 : memref<2x128xi32, #tpu.memory_space<vmem>>)
      tpu.yield
    }) : () -> ()
    %dma_start3A = arith.constant 0 : i32
    %dma_start3A_5 = arith.constant 0 : i32
    %dma_start3A_6 = arith.constant 0 : i32
    %dma_start3A_7 = tpu.memref_slice %arg12[%dma_start3A_5, %dma_start3A_6] : memref<256x128xf32, #tpu.memory_space<vmem>> -> memref<128x128xf32, #tpu.memory_space<vmem>>
    %dma_start3A_8 = arith.constant 0 : i32
    %dma_start3A_9 = tpu.memref_slice %arg10[%dma_start3A, %dma_start3A_8] : memref<2x128xi32, #tpu.memory_space<vmem>> -> memref<1x128xi32, #tpu.memory_space<vmem>>
    %dma_start3A_10 = tpu.memref_squeeze %dma_start3A_9 : memref<1x128xi32, #tpu.memory_space<vmem>> -> memref<128xi32, #tpu.memory_space<vmem>>
    %dma_start3A_11 = arith.constant 0 : i32
    %dma_start3A_12 = arith.constant 0 : i32
    %dma_start3A_13 = tpu.memref_slice %arg2[%dma_start3A_11, %dma_start3A_12] : memref<100000x128xf32, #tpu.memory_space<hbm>> -> memref<100000x128xf32, #tpu.memory_space<hbm>>
    tpu.enqueue_indirect_dma source(%dma_start3A_13 : memref<100000x128xf32, #tpu.memory_space<hbm>>) target(%dma_start3A_7 : memref<128x128xf32, #tpu.memory_space<vmem>>) offsets(%dma_start3A_10 : memref<128xi32, #tpu.memory_space<vmem>>) semaphore(%arg21 : memref<!tpu.dma_semaphore, #tpu.memory_space<semaphore_mem>>)
    %dma_start3A_14 = arith.constant 1 : i32
    %dma_start3A_15 = arith.constant 128 : i32
    %dma_start3A_16 = arith.constant 0 : i32
    %dma_start3A_17 = tpu.memref_slice %arg12[%dma_start3A_15, %dma_start3A_16] : memref<256x128xf32, #tpu.memory_space<vmem>> -> memref<128x128xf32, #tpu.memory_space<vmem>>
    %dma_start3A_18 = arith.constant 0 : i32
    %dma_start3A_19 = tpu.memref_slice %arg10[%dma_start3A_14, %dma_start3A_18] : memref<2x128xi32, #tpu.memory_space<vmem>> -> memref<1x128xi32, #tpu.memory_space<vmem>>
    %dma_start3A_20 = tpu.memref_squeeze %dma_start3A_19 : memref<1x128xi32, #tpu.memory_space<vmem>> -> memref<128xi32, #tpu.memory_space<vmem>>
    %dma_start3A_21 = arith.constant 0 : i32
    %dma_start3A_22 = arith.constant 0 : i32
    %dma_start3A_23 = tpu.memref_slice %arg2[%dma_start3A_21, %dma_start3A_22] : memref<100000x128xf32, #tpu.memory_space<hbm>> -> memref<100000x128xf32, #tpu.memory_space<hbm>>
    tpu.enqueue_indirect_dma source(%dma_start3A_23 : memref<100000x128xf32, #tpu.memory_space<hbm>>) target(%dma_start3A_17 : memref<128x128xf32, #tpu.memory_space<vmem>>) offsets(%dma_start3A_20 : memref<128xi32, #tpu.memory_space<vmem>>) semaphore(%arg21 : memref<!tpu.dma_semaphore, #tpu.memory_space<semaphore_mem>>)
    %dma_start3A_24 = arith.constant 0 : i32
    %dma_start3A_25 = arith.constant 0 : i32
    %dma_start3A_26 = arith.constant 0 : i32
    %dma_start3A_27 = tpu.memref_slice %arg13[%dma_start3A_25, %dma_start3A_26] : memref<256x128xf32, #tpu.memory_space<vmem>> -> memref<128x128xf32, #tpu.memory_space<vmem>>
    %dma_start3A_28 = arith.constant 0 : i32
    %dma_start3A_29 = tpu.memref_slice %arg11[%dma_start3A_24, %dma_start3A_28] : memref<2x128xi32, #tpu.memory_space<vmem>> -> memref<1x128xi32, #tpu.memory_space<vmem>>
    %dma_start3A_30 = tpu.memref_squeeze %dma_start3A_29 : memref<1x128xi32, #tpu.memory_space<vmem>> -> memref<128xi32, #tpu.memory_space<vmem>>
    %dma_start3A_31 = arith.constant 0 : i32
    %dma_start3A_32 = arith.constant 0 : i32
    %dma_start3A_33 = tpu.memref_slice %arg3[%dma_start3A_31, %dma_start3A_32] : memref<100000x128xf32, #tpu.memory_space<hbm>> -> memref<100000x128xf32, #tpu.memory_space<hbm>>
    tpu.enqueue_indirect_dma source(%dma_start3A_33 : memref<100000x128xf32, #tpu.memory_space<hbm>>) target(%dma_start3A_27 : memref<128x128xf32, #tpu.memory_space<vmem>>) offsets(%dma_start3A_30 : memref<128xi32, #tpu.memory_space<vmem>>) semaphore(%arg21 : memref<!tpu.dma_semaphore, #tpu.memory_space<semaphore_mem>>)
    %dma_start3A_34 = arith.constant 1 : i32
    %dma_start3A_35 = arith.constant 128 : i32
    %dma_start3A_36 = arith.constant 0 : i32
    %dma_start3A_37 = tpu.memref_slice %arg13[%dma_start3A_35, %dma_start3A_36] : memref<256x128xf32, #tpu.memory_space<vmem>> -> memref<128x128xf32, #tpu.memory_space<vmem>>
    %dma_start3A_38 = arith.constant 0 : i32
    %dma_start3A_39 = tpu.memref_slice %arg11[%dma_start3A_34, %dma_start3A_38] : memref<2x128xi32, #tpu.memory_space<vmem>> -> memref<1x128xi32, #tpu.memory_space<vmem>>
    %dma_start3A_40 = tpu.memref_squeeze %dma_start3A_39 : memref<1x128xi32, #tpu.memory_space<vmem>> -> memref<128xi32, #tpu.memory_space<vmem>>
    %dma_start3A_41 = arith.constant 0 : i32
    %dma_start3A_42 = arith.constant 0 : i32
    %dma_start3A_43 = tpu.memref_slice %arg3[%dma_start3A_41, %dma_start3A_42] : memref<100000x128xf32, #tpu.memory_space<hbm>> -> memref<100000x128xf32, #tpu.memory_space<hbm>>
    tpu.enqueue_indirect_dma source(%dma_start3A_43 : memref<100000x128xf32, #tpu.memory_space<hbm>>) target(%dma_start3A_37 : memref<128x128xf32, #tpu.memory_space<vmem>>) offsets(%dma_start3A_40 : memref<128xi32, #tpu.memory_space<vmem>>) semaphore(%arg21 : memref<!tpu.dma_semaphore, #tpu.memory_space<semaphore_mem>>)
    %mul3A_44 = arith.constant 6256 : i32
    %mul3A_45 = arith.muli %arg1, %mul3A_44 : i32
    "tpu.region"() ({
      %run_scoped3A = tpu.sem_alloc : memref<!tpu.dma_semaphore, #tpu.memory_space<semaphore_mem>>
      %dma_start3A_347 = tpu.memref_slice %arg4[%mul3A_45] : memref<100096xf32, #tpu.memory_space<hbm>> -> memref<6256xf32, #tpu.memory_space<hbm>>
      %dma_start3A_348 = tpu.memref_slice %arg4[%mul3A_45] : memref<100096xf32, #tpu.memory_space<hbm>> -> memref<6256xf32, #tpu.memory_space<hbm>>
      tpu.enqueue_dma source(%dma_start3A_348 : memref<6256xf32, #tpu.memory_space<hbm>>) target(%arg17 : memref<6256xf32, #tpu.memory_space<vmem>>) target_semaphore(%run_scoped3A : memref<!tpu.dma_semaphore, #tpu.memory_space<semaphore_mem>>)
      %dma_wait3A_349 = tpu.memref_slice %arg4[%mul3A_45] : memref<100096xf32, #tpu.memory_space<hbm>> -> memref<6256xf32, #tpu.memory_space<hbm>>
      %dma_wait3A_350 = tpu.memref_slice %arg4[%mul3A_45] : memref<100096xf32, #tpu.memory_space<hbm>> -> memref<6256xf32, #tpu.memory_space<hbm>>
      tpu.wait_dma2 semaphore(%run_scoped3A : memref<!tpu.dma_semaphore, #tpu.memory_space<semaphore_mem>>) src(%dma_wait3A_350 : memref<6256xf32, #tpu.memory_space<hbm>>) dst(%arg17 : memref<6256xf32, #tpu.memory_space<vmem>>)
      tpu.yield
    }) : () -> ()
    "tpu.region"() ({
      %run_scoped3A = tpu.sem_alloc : memref<!tpu.dma_semaphore, #tpu.memory_space<semaphore_mem>>
      %dma_start3A_347 = tpu.memref_slice %arg5[%mul3A_45] : memref<100096xf32, #tpu.memory_space<hbm>> -> memref<6256xf32, #tpu.memory_space<hbm>>
      %dma_start3A_348 = tpu.memref_slice %arg5[%mul3A_45] : memref<100096xf32, #tpu.memory_space<hbm>> -> memref<6256xf32, #tpu.memory_space<hbm>>
      tpu.enqueue_dma source(%dma_start3A_348 : memref<6256xf32, #tpu.memory_space<hbm>>) target(%arg18 : memref<6256xf32, #tpu.memory_space<vmem>>) target_semaphore(%run_scoped3A : memref<!tpu.dma_semaphore, #tpu.memory_space<semaphore_mem>>)
      %dma_wait3A_349 = tpu.memref_slice %arg5[%mul3A_45] : memref<100096xf32, #tpu.memory_space<hbm>> -> memref<6256xf32, #tpu.memory_space<hbm>>
      %dma_wait3A_350 = tpu.memref_slice %arg5[%mul3A_45] : memref<100096xf32, #tpu.memory_space<hbm>> -> memref<6256xf32, #tpu.memory_space<hbm>>
      tpu.wait_dma2 semaphore(%run_scoped3A : memref<!tpu.dma_semaphore, #tpu.memory_space<semaphore_mem>>) src(%dma_wait3A_350 : memref<6256xf32, #tpu.memory_space<hbm>>) dst(%arg18 : memref<6256xf32, #tpu.memory_space<vmem>>)
      tpu.yield
    }) : () -> ()
    %dma_start3A_46 = tpu.memref_slice %arg19[%mul3A_45] : memref<100096xf32, #tpu.memory_space<vmem_shared>> -> memref<6256xf32, #tpu.memory_space<vmem_shared>>
    %dma_start3A_47 = tpu.memref_slice %arg19[%mul3A_45] : memref<100096xf32, #tpu.memory_space<vmem_shared>> -> memref<6256xf32, #tpu.memory_space<vmem_shared>>
    tpu.enqueue_dma source(%arg17 : memref<6256xf32, #tpu.memory_space<vmem>>) target(%dma_start3A_47 : memref<6256xf32, #tpu.memory_space<vmem_shared>>) target_semaphore(%arg22 : memref<!tpu.dma_semaphore, #tpu.memory_space<semaphore_mem>>)
    %dma_start3A_48 = tpu.memref_slice %arg20[%mul3A_45] : memref<100096xf32, #tpu.memory_space<vmem_shared>> -> memref<6256xf32, #tpu.memory_space<vmem_shared>>
    %dma_start3A_49 = tpu.memref_slice %arg20[%mul3A_45] : memref<100096xf32, #tpu.memory_space<vmem_shared>> -> memref<6256xf32, #tpu.memory_space<vmem_shared>>
    tpu.enqueue_dma source(%arg18 : memref<6256xf32, #tpu.memory_space<vmem>>) target(%dma_start3A_49 : memref<6256xf32, #tpu.memory_space<vmem_shared>>) target_semaphore(%arg22 : memref<!tpu.dma_semaphore, #tpu.memory_space<semaphore_mem>>)
    %dma_wait3A = tpu.memref_slice %arg19[%mul3A_45] : memref<100096xf32, #tpu.memory_space<vmem_shared>> -> memref<6256xf32, #tpu.memory_space<vmem_shared>>
    %dma_wait3A_50 = tpu.memref_slice %arg19[%mul3A_45] : memref<100096xf32, #tpu.memory_space<vmem_shared>> -> memref<6256xf32, #tpu.memory_space<vmem_shared>>
    tpu.wait_dma2 semaphore(%arg22 : memref<!tpu.dma_semaphore, #tpu.memory_space<semaphore_mem>>) src(%arg17 : memref<6256xf32, #tpu.memory_space<vmem>>) dst(%dma_wait3A_50 : memref<6256xf32, #tpu.memory_space<vmem_shared>>)
    %dma_wait3A_51 = tpu.memref_slice %arg20[%mul3A_45] : memref<100096xf32, #tpu.memory_space<vmem_shared>> -> memref<6256xf32, #tpu.memory_space<vmem_shared>>
    %dma_wait3A_52 = tpu.memref_slice %arg20[%mul3A_45] : memref<100096xf32, #tpu.memory_space<vmem_shared>> -> memref<6256xf32, #tpu.memory_space<vmem_shared>>
    tpu.wait_dma2 semaphore(%arg22 : memref<!tpu.dma_semaphore, #tpu.memory_space<semaphore_mem>>) src(%arg18 : memref<6256xf32, #tpu.memory_space<vmem>>) dst(%dma_wait3A_52 : memref<6256xf32, #tpu.memory_space<vmem_shared>>)
    %barrier3A = arith.constant 0 : index
    tpu.barrier barrier_id(%barrier3A)
    %dma_start3A_53 = arith.constant 0 : i32
    %dma_start3A_54 = arith.constant 0 : i32
    %dma_start3A_55 = arith.constant 0 : i32
    %dma_start3A_56 = tpu.memref_slice %arg14[%dma_start3A_54, %dma_start3A_55] : memref<2x128xf32, #tpu.memory_space<vmem>> -> memref<1x128xf32, #tpu.memory_space<vmem>>
    %dma_start3A_57 = tpu.memref_squeeze %dma_start3A_56 : memref<1x128xf32, #tpu.memory_space<vmem>> -> memref<128xf32, #tpu.memory_space<vmem>>
    %dma_start3A_58 = arith.constant 0 : i32
    %dma_start3A_59 = tpu.memref_slice %arg10[%dma_start3A_53, %dma_start3A_58] : memref<2x128xi32, #tpu.memory_space<vmem>> -> memref<1x128xi32, #tpu.memory_space<vmem>>
    %dma_start3A_60 = tpu.memref_squeeze %dma_start3A_59 : memref<1x128xi32, #tpu.memory_space<vmem>> -> memref<128xi32, #tpu.memory_space<vmem>>
    %dma_start3A_61 = arith.constant 0 : i32
    %dma_start3A_62 = tpu.memref_slice %arg19[%dma_start3A_61] : memref<100096xf32, #tpu.memory_space<vmem_shared>> -> memref<100096xf32, #tpu.memory_space<vmem_shared>>
    tpu.enqueue_indirect_dma source(%dma_start3A_62 : memref<100096xf32, #tpu.memory_space<vmem_shared>>) target(%dma_start3A_57 : memref<128xf32, #tpu.memory_space<vmem>>) offsets(%dma_start3A_60 : memref<128xi32, #tpu.memory_space<vmem>>) semaphore(%arg23 : memref<!tpu.dma_semaphore, #tpu.memory_space<semaphore_mem>>)
    %dma_start3A_63 = arith.constant 1 : i32
    %dma_start3A_64 = arith.constant 1 : i32
    %dma_start3A_65 = arith.constant 0 : i32
    %dma_start3A_66 = tpu.memref_slice %arg14[%dma_start3A_64, %dma_start3A_65] : memref<2x128xf32, #tpu.memory_space<vmem>> -> memref<1x128xf32, #tpu.memory_space<vmem>>
    %dma_start3A_67 = tpu.memref_squeeze %dma_start3A_66 : memref<1x128xf32, #tpu.memory_space<vmem>> -> memref<128xf32, #tpu.memory_space<vmem>>
    %dma_start3A_68 = arith.constant 0 : i32
    %dma_start3A_69 = tpu.memref_slice %arg10[%dma_start3A_63, %dma_start3A_68] : memref<2x128xi32, #tpu.memory_space<vmem>> -> memref<1x128xi32, #tpu.memory_space<vmem>>
    %dma_start3A_70 = tpu.memref_squeeze %dma_start3A_69 : memref<1x128xi32, #tpu.memory_space<vmem>> -> memref<128xi32, #tpu.memory_space<vmem>>
    %dma_start3A_71 = arith.constant 0 : i32
    %dma_start3A_72 = tpu.memref_slice %arg19[%dma_start3A_71] : memref<100096xf32, #tpu.memory_space<vmem_shared>> -> memref<100096xf32, #tpu.memory_space<vmem_shared>>
    tpu.enqueue_indirect_dma source(%dma_start3A_72 : memref<100096xf32, #tpu.memory_space<vmem_shared>>) target(%dma_start3A_67 : memref<128xf32, #tpu.memory_space<vmem>>) offsets(%dma_start3A_70 : memref<128xi32, #tpu.memory_space<vmem>>) semaphore(%arg23 : memref<!tpu.dma_semaphore, #tpu.memory_space<semaphore_mem>>)
    %dma_start3A_73 = arith.constant 0 : i32
    %dma_start3A_74 = arith.constant 0 : i32
    %dma_start3A_75 = arith.constant 0 : i32
    %dma_start3A_76 = tpu.memref_slice %arg15[%dma_start3A_74, %dma_start3A_75] : memref<2x128xf32, #tpu.memory_space<vmem>> -> memref<1x128xf32, #tpu.memory_space<vmem>>
    %dma_start3A_77 = tpu.memref_squeeze %dma_start3A_76 : memref<1x128xf32, #tpu.memory_space<vmem>> -> memref<128xf32, #tpu.memory_space<vmem>>
    %dma_start3A_78 = arith.constant 0 : i32
    %dma_start3A_79 = tpu.memref_slice %arg11[%dma_start3A_73, %dma_start3A_78] : memref<2x128xi32, #tpu.memory_space<vmem>> -> memref<1x128xi32, #tpu.memory_space<vmem>>
    %dma_start3A_80 = tpu.memref_squeeze %dma_start3A_79 : memref<1x128xi32, #tpu.memory_space<vmem>> -> memref<128xi32, #tpu.memory_space<vmem>>
    %dma_start3A_81 = arith.constant 0 : i32
    %dma_start3A_82 = tpu.memref_slice %arg20[%dma_start3A_81] : memref<100096xf32, #tpu.memory_space<vmem_shared>> -> memref<100096xf32, #tpu.memory_space<vmem_shared>>
    tpu.enqueue_indirect_dma source(%dma_start3A_82 : memref<100096xf32, #tpu.memory_space<vmem_shared>>) target(%dma_start3A_77 : memref<128xf32, #tpu.memory_space<vmem>>) offsets(%dma_start3A_80 : memref<128xi32, #tpu.memory_space<vmem>>) semaphore(%arg23 : memref<!tpu.dma_semaphore, #tpu.memory_space<semaphore_mem>>)
    %dma_start3A_83 = arith.constant 1 : i32
    %dma_start3A_84 = arith.constant 1 : i32
    %dma_start3A_85 = arith.constant 0 : i32
    %dma_start3A_86 = tpu.memref_slice %arg15[%dma_start3A_84, %dma_start3A_85] : memref<2x128xf32, #tpu.memory_space<vmem>> -> memref<1x128xf32, #tpu.memory_space<vmem>>
    %dma_start3A_87 = tpu.memref_squeeze %dma_start3A_86 : memref<1x128xf32, #tpu.memory_space<vmem>> -> memref<128xf32, #tpu.memory_space<vmem>>
    %dma_start3A_88 = arith.constant 0 : i32
    %dma_start3A_89 = tpu.memref_slice %arg11[%dma_start3A_83, %dma_start3A_88] : memref<2x128xi32, #tpu.memory_space<vmem>> -> memref<1x128xi32, #tpu.memory_space<vmem>>
    %dma_start3A_90 = tpu.memref_squeeze %dma_start3A_89 : memref<1x128xi32, #tpu.memory_space<vmem>> -> memref<128xi32, #tpu.memory_space<vmem>>
    %dma_start3A_91 = arith.constant 0 : i32
    %dma_start3A_92 = tpu.memref_slice %arg20[%dma_start3A_91] : memref<100096xf32, #tpu.memory_space<vmem_shared>> -> memref<100096xf32, #tpu.memory_space<vmem_shared>>
    tpu.enqueue_indirect_dma source(%dma_start3A_92 : memref<100096xf32, #tpu.memory_space<vmem_shared>>) target(%dma_start3A_87 : memref<128xf32, #tpu.memory_space<vmem>>) offsets(%dma_start3A_90 : memref<128xi32, #tpu.memory_space<vmem>>) semaphore(%arg23 : memref<!tpu.dma_semaphore, #tpu.memory_space<semaphore_mem>>)
    %dma_wait3A_93 = arith.constant 0 : i32
    %dma_wait3A_94 = arith.constant 0 : i32
    %dma_wait3A_95 = arith.constant 0 : i32
    %dma_wait3A_96 = tpu.memref_slice %arg12[%dma_wait3A_94, %dma_wait3A_95] : memref<256x128xf32, #tpu.memory_space<vmem>> -> memref<128x128xf32, #tpu.memory_space<vmem>>
    %dma_wait3A_97 = arith.constant 0 : i32
    %dma_wait3A_98 = tpu.memref_slice %arg10[%dma_wait3A_93, %dma_wait3A_97] : memref<2x128xi32, #tpu.memory_space<vmem>> -> memref<1x128xi32, #tpu.memory_space<vmem>>
    %dma_wait3A_99 = tpu.memref_squeeze %dma_wait3A_98 : memref<1x128xi32, #tpu.memory_space<vmem>> -> memref<128xi32, #tpu.memory_space<vmem>>
    %dma_wait3A_100 = arith.constant 0 : i32
    %dma_wait3A_101 = arith.constant 0 : i32
    %dma_wait3A_102 = tpu.memref_slice %arg2[%dma_wait3A_100, %dma_wait3A_101] : memref<100000x128xf32, #tpu.memory_space<hbm>> -> memref<100000x128xf32, #tpu.memory_space<hbm>>
    tpu.wait_indirect_dma semaphore(%arg21 : memref<!tpu.dma_semaphore, #tpu.memory_space<semaphore_mem>>) src(%dma_wait3A_102 : memref<100000x128xf32, #tpu.memory_space<hbm>>) dst(%dma_wait3A_96 : memref<128x128xf32, #tpu.memory_space<vmem>>)
    %dma_wait3A_103 = arith.constant 1 : i32
    %dma_wait3A_104 = arith.constant 128 : i32
    %dma_wait3A_105 = arith.constant 0 : i32
    %dma_wait3A_106 = tpu.memref_slice %arg12[%dma_wait3A_104, %dma_wait3A_105] : memref<256x128xf32, #tpu.memory_space<vmem>> -> memref<128x128xf32, #tpu.memory_space<vmem>>
    %dma_wait3A_107 = arith.constant 0 : i32
    %dma_wait3A_108 = tpu.memref_slice %arg10[%dma_wait3A_103, %dma_wait3A_107] : memref<2x128xi32, #tpu.memory_space<vmem>> -> memref<1x128xi32, #tpu.memory_space<vmem>>
    %dma_wait3A_109 = tpu.memref_squeeze %dma_wait3A_108 : memref<1x128xi32, #tpu.memory_space<vmem>> -> memref<128xi32, #tpu.memory_space<vmem>>
    %dma_wait3A_110 = arith.constant 0 : i32
    %dma_wait3A_111 = arith.constant 0 : i32
    %dma_wait3A_112 = tpu.memref_slice %arg2[%dma_wait3A_110, %dma_wait3A_111] : memref<100000x128xf32, #tpu.memory_space<hbm>> -> memref<100000x128xf32, #tpu.memory_space<hbm>>
    tpu.wait_indirect_dma semaphore(%arg21 : memref<!tpu.dma_semaphore, #tpu.memory_space<semaphore_mem>>) src(%dma_wait3A_112 : memref<100000x128xf32, #tpu.memory_space<hbm>>) dst(%dma_wait3A_106 : memref<128x128xf32, #tpu.memory_space<vmem>>)
    %dma_wait3A_113 = arith.constant 0 : i32
    %dma_wait3A_114 = arith.constant 0 : i32
    %dma_wait3A_115 = arith.constant 0 : i32
    %dma_wait3A_116 = tpu.memref_slice %arg13[%dma_wait3A_114, %dma_wait3A_115] : memref<256x128xf32, #tpu.memory_space<vmem>> -> memref<128x128xf32, #tpu.memory_space<vmem>>
    %dma_wait3A_117 = arith.constant 0 : i32
    %dma_wait3A_118 = tpu.memref_slice %arg11[%dma_wait3A_113, %dma_wait3A_117] : memref<2x128xi32, #tpu.memory_space<vmem>> -> memref<1x128xi32, #tpu.memory_space<vmem>>
    %dma_wait3A_119 = tpu.memref_squeeze %dma_wait3A_118 : memref<1x128xi32, #tpu.memory_space<vmem>> -> memref<128xi32, #tpu.memory_space<vmem>>
    %dma_wait3A_120 = arith.constant 0 : i32
    %dma_wait3A_121 = arith.constant 0 : i32
    %dma_wait3A_122 = tpu.memref_slice %arg3[%dma_wait3A_120, %dma_wait3A_121] : memref<100000x128xf32, #tpu.memory_space<hbm>> -> memref<100000x128xf32, #tpu.memory_space<hbm>>
    tpu.wait_indirect_dma semaphore(%arg21 : memref<!tpu.dma_semaphore, #tpu.memory_space<semaphore_mem>>) src(%dma_wait3A_122 : memref<100000x128xf32, #tpu.memory_space<hbm>>) dst(%dma_wait3A_116 : memref<128x128xf32, #tpu.memory_space<vmem>>)
    %dma_wait3A_123 = arith.constant 1 : i32
    %dma_wait3A_124 = arith.constant 128 : i32
    %dma_wait3A_125 = arith.constant 0 : i32
    %dma_wait3A_126 = tpu.memref_slice %arg13[%dma_wait3A_124, %dma_wait3A_125] : memref<256x128xf32, #tpu.memory_space<vmem>> -> memref<128x128xf32, #tpu.memory_space<vmem>>
    %dma_wait3A_127 = arith.constant 0 : i32
    %dma_wait3A_128 = tpu.memref_slice %arg11[%dma_wait3A_123, %dma_wait3A_127] : memref<2x128xi32, #tpu.memory_space<vmem>> -> memref<1x128xi32, #tpu.memory_space<vmem>>
    %dma_wait3A_129 = tpu.memref_squeeze %dma_wait3A_128 : memref<1x128xi32, #tpu.memory_space<vmem>> -> memref<128xi32, #tpu.memory_space<vmem>>
    %dma_wait3A_130 = arith.constant 0 : i32
    %dma_wait3A_131 = arith.constant 0 : i32
    %dma_wait3A_132 = tpu.memref_slice %arg3[%dma_wait3A_130, %dma_wait3A_131] : memref<100000x128xf32, #tpu.memory_space<hbm>> -> memref<100000x128xf32, #tpu.memory_space<hbm>>
    tpu.wait_indirect_dma semaphore(%arg21 : memref<!tpu.dma_semaphore, #tpu.memory_space<semaphore_mem>>) src(%dma_wait3A_132 : memref<100000x128xf32, #tpu.memory_space<hbm>>) dst(%dma_wait3A_126 : memref<128x128xf32, #tpu.memory_space<vmem>>)
    "tpu.region"() ({
      %run_scoped3A = tpu.sem_alloc : memref<!tpu.dma_semaphore, #tpu.memory_space<semaphore_mem>>
      %dma_start3A_347 = arith.constant 0 : i32
      %dma_start3A_348 = tpu.memref_slice %arg8[%mul3A_2, %dma_start3A_347] : memref<8192x256xf32, #tpu.memory_space<hbm>> -> memref<256x128xf32, #tpu.memory_space<hbm>>
      %dma_start3A_349 = arith.constant 0 : i32
      %dma_start3A_350 = tpu.memref_slice %arg8[%mul3A_2, %dma_start3A_349] : memref<8192x256xf32, #tpu.memory_space<hbm>> -> memref<256x128xf32, #tpu.memory_space<hbm>>
      tpu.enqueue_dma source(%arg12 : memref<256x128xf32, #tpu.memory_space<vmem>>) target(%dma_start3A_350 : memref<256x128xf32, #tpu.memory_space<hbm>>) target_semaphore(%run_scoped3A : memref<!tpu.dma_semaphore, #tpu.memory_space<semaphore_mem>>)
      %dma_wait3A_351 = arith.constant 0 : i32
      %dma_wait3A_352 = tpu.memref_slice %arg8[%mul3A_2, %dma_wait3A_351] : memref<8192x256xf32, #tpu.memory_space<hbm>> -> memref<256x128xf32, #tpu.memory_space<hbm>>
      %dma_wait3A_353 = arith.constant 0 : i32
      %dma_wait3A_354 = tpu.memref_slice %arg8[%mul3A_2, %dma_wait3A_353] : memref<8192x256xf32, #tpu.memory_space<hbm>> -> memref<256x128xf32, #tpu.memory_space<hbm>>
      tpu.wait_dma2 semaphore(%run_scoped3A : memref<!tpu.dma_semaphore, #tpu.memory_space<semaphore_mem>>) src(%arg12 : memref<256x128xf32, #tpu.memory_space<vmem>>) dst(%dma_wait3A_354 : memref<256x128xf32, #tpu.memory_space<hbm>>)
      tpu.yield
    }) : () -> ()
    "tpu.region"() ({
      %run_scoped3A = tpu.sem_alloc : memref<!tpu.dma_semaphore, #tpu.memory_space<semaphore_mem>>
      %dma_start3A_347 = arith.constant 128 : i32
      %dma_start3A_348 = tpu.memref_slice %arg8[%mul3A_2, %dma_start3A_347] : memref<8192x256xf32, #tpu.memory_space<hbm>> -> memref<256x128xf32, #tpu.memory_space<hbm>>
      %dma_start3A_349 = arith.constant 128 : i32
      %dma_start3A_350 = tpu.memref_slice %arg8[%mul3A_2, %dma_start3A_349] : memref<8192x256xf32, #tpu.memory_space<hbm>> -> memref<256x128xf32, #tpu.memory_space<hbm>>
      tpu.enqueue_dma source(%arg13 : memref<256x128xf32, #tpu.memory_space<vmem>>) target(%dma_start3A_350 : memref<256x128xf32, #tpu.memory_space<hbm>>) target_semaphore(%run_scoped3A : memref<!tpu.dma_semaphore, #tpu.memory_space<semaphore_mem>>)
      %dma_wait3A_351 = arith.constant 128 : i32
      %dma_wait3A_352 = tpu.memref_slice %arg8[%mul3A_2, %dma_wait3A_351] : memref<8192x256xf32, #tpu.memory_space<hbm>> -> memref<256x128xf32, #tpu.memory_space<hbm>>
      %dma_wait3A_353 = arith.constant 128 : i32
      %dma_wait3A_354 = tpu.memref_slice %arg8[%mul3A_2, %dma_wait3A_353] : memref<8192x256xf32, #tpu.memory_space<hbm>> -> memref<256x128xf32, #tpu.memory_space<hbm>>
      tpu.wait_dma2 semaphore(%run_scoped3A : memref<!tpu.dma_semaphore, #tpu.memory_space<semaphore_mem>>) src(%arg13 : memref<256x128xf32, #tpu.memory_space<vmem>>) dst(%dma_wait3A_354 : memref<256x128xf32, #tpu.memory_space<hbm>>)
      tpu.yield
    }) : () -> ()
    %dma_wait3A_133 = arith.constant 0 : i32
    %dma_wait3A_134 = arith.constant 0 : i32
    %dma_wait3A_135 = arith.constant 0 : i32
    %dma_wait3A_136 = tpu.memref_slice %arg14[%dma_wait3A_134, %dma_wait3A_135] : memref<2x128xf32, #tpu.memory_space<vmem>> -> memref<1x128xf32, #tpu.memory_space<vmem>>
    %dma_wait3A_137 = tpu.memref_squeeze %dma_wait3A_136 : memref<1x128xf32, #tpu.memory_space<vmem>> -> memref<128xf32, #tpu.memory_space<vmem>>
    %dma_wait3A_138 = arith.constant 0 : i32
    %dma_wait3A_139 = tpu.memref_slice %arg10[%dma_wait3A_133, %dma_wait3A_138] : memref<2x128xi32, #tpu.memory_space<vmem>> -> memref<1x128xi32, #tpu.memory_space<vmem>>
    %dma_wait3A_140 = tpu.memref_squeeze %dma_wait3A_139 : memref<1x128xi32, #tpu.memory_space<vmem>> -> memref<128xi32, #tpu.memory_space<vmem>>
    %dma_wait3A_141 = arith.constant 0 : i32
    %dma_wait3A_142 = tpu.memref_slice %arg19[%dma_wait3A_141] : memref<100096xf32, #tpu.memory_space<vmem_shared>> -> memref<100096xf32, #tpu.memory_space<vmem_shared>>
    tpu.wait_indirect_dma semaphore(%arg23 : memref<!tpu.dma_semaphore, #tpu.memory_space<semaphore_mem>>) src(%dma_wait3A_142 : memref<100096xf32, #tpu.memory_space<vmem_shared>>) dst(%dma_wait3A_137 : memref<128xf32, #tpu.memory_space<vmem>>)
    %dma_wait3A_143 = arith.constant 1 : i32
    %dma_wait3A_144 = arith.constant 1 : i32
    %dma_wait3A_145 = arith.constant 0 : i32
    %dma_wait3A_146 = tpu.memref_slice %arg14[%dma_wait3A_144, %dma_wait3A_145] : memref<2x128xf32, #tpu.memory_space<vmem>> -> memref<1x128xf32, #tpu.memory_space<vmem>>
    %dma_wait3A_147 = tpu.memref_squeeze %dma_wait3A_146 : memref<1x128xf32, #tpu.memory_space<vmem>> -> memref<128xf32, #tpu.memory_space<vmem>>
    %dma_wait3A_148 = arith.constant 0 : i32
    %dma_wait3A_149 = tpu.memref_slice %arg10[%dma_wait3A_143, %dma_wait3A_148] : memref<2x128xi32, #tpu.memory_space<vmem>> -> memref<1x128xi32, #tpu.memory_space<vmem>>
    %dma_wait3A_150 = tpu.memref_squeeze %dma_wait3A_149 : memref<1x128xi32, #tpu.memory_space<vmem>> -> memref<128xi32, #tpu.memory_space<vmem>>
    %dma_wait3A_151 = arith.constant 0 : i32
    %dma_wait3A_152 = tpu.memref_slice %arg19[%dma_wait3A_151] : memref<100096xf32, #tpu.memory_space<vmem_shared>> -> memref<100096xf32, #tpu.memory_space<vmem_shared>>
    tpu.wait_indirect_dma semaphore(%arg23 : memref<!tpu.dma_semaphore, #tpu.memory_space<semaphore_mem>>) src(%dma_wait3A_152 : memref<100096xf32, #tpu.memory_space<vmem_shared>>) dst(%dma_wait3A_147 : memref<128xf32, #tpu.memory_space<vmem>>)
    %dma_wait3A_153 = arith.constant 0 : i32
    %dma_wait3A_154 = arith.constant 0 : i32
    %dma_wait3A_155 = arith.constant 0 : i32
    %dma_wait3A_156 = tpu.memref_slice %arg15[%dma_wait3A_154, %dma_wait3A_155] : memref<2x128xf32, #tpu.memory_space<vmem>> -> memref<1x128xf32, #tpu.memory_space<vmem>>
    %dma_wait3A_157 = tpu.memref_squeeze %dma_wait3A_156 : memref<1x128xf32, #tpu.memory_space<vmem>> -> memref<128xf32, #tpu.memory_space<vmem>>
    %dma_wait3A_158 = arith.constant 0 : i32
    %dma_wait3A_159 = tpu.memref_slice %arg11[%dma_wait3A_153, %dma_wait3A_158] : memref<2x128xi32, #tpu.memory_space<vmem>> -> memref<1x128xi32, #tpu.memory_space<vmem>>
    %dma_wait3A_160 = tpu.memref_squeeze %dma_wait3A_159 : memref<1x128xi32, #tpu.memory_space<vmem>> -> memref<128xi32, #tpu.memory_space<vmem>>
    %dma_wait3A_161 = arith.constant 0 : i32
    %dma_wait3A_162 = tpu.memref_slice %arg20[%dma_wait3A_161] : memref<100096xf32, #tpu.memory_space<vmem_shared>> -> memref<100096xf32, #tpu.memory_space<vmem_shared>>
    tpu.wait_indirect_dma semaphore(%arg23 : memref<!tpu.dma_semaphore, #tpu.memory_space<semaphore_mem>>) src(%dma_wait3A_162 : memref<100096xf32, #tpu.memory_space<vmem_shared>>) dst(%dma_wait3A_157 : memref<128xf32, #tpu.memory_space<vmem>>)
    %dma_wait3A_163 = arith.constant 1 : i32
    %dma_wait3A_164 = arith.constant 1 : i32
    %dma_wait3A_165 = arith.constant 0 : i32
    %dma_wait3A_166 = tpu.memref_slice %arg15[%dma_wait3A_164, %dma_wait3A_165] : memref<2x128xf32, #tpu.memory_space<vmem>> -> memref<1x128xf32, #tpu.memory_space<vmem>>
    %dma_wait3A_167 = tpu.memref_squeeze %dma_wait3A_166 : memref<1x128xf32, #tpu.memory_space<vmem>> -> memref<128xf32, #tpu.memory_space<vmem>>
    %dma_wait3A_168 = arith.constant 0 : i32
    %dma_wait3A_169 = tpu.memref_slice %arg11[%dma_wait3A_163, %dma_wait3A_168] : memref<2x128xi32, #tpu.memory_space<vmem>> -> memref<1x128xi32, #tpu.memory_space<vmem>>
    %dma_wait3A_170 = tpu.memref_squeeze %dma_wait3A_169 : memref<1x128xi32, #tpu.memory_space<vmem>> -> memref<128xi32, #tpu.memory_space<vmem>>
    %dma_wait3A_171 = arith.constant 0 : i32
    %dma_wait3A_172 = tpu.memref_slice %arg20[%dma_wait3A_171] : memref<100096xf32, #tpu.memory_space<vmem_shared>> -> memref<100096xf32, #tpu.memory_space<vmem_shared>>
    tpu.wait_indirect_dma semaphore(%arg23 : memref<!tpu.dma_semaphore, #tpu.memory_space<semaphore_mem>>) src(%dma_wait3A_172 : memref<100096xf32, #tpu.memory_space<vmem_shared>>) dst(%dma_wait3A_167 : memref<128xf32, #tpu.memory_space<vmem>>)
    %get3A = arith.constant 0 : i32
    %get3A_173 = arith.index_cast %get3A : i32 to index
    %get3A_174 = arith.constant 0 : index
    %get3A_175 = tpu.vector_load %arg14[%get3A_173, %get3A_174] {strides = array<i32>} : memref<2x128xf32, #tpu.memory_space<vmem>>, vector<16xf32>,
    %get3A_176 = arith.constant 0 : i32
    %get3A_177 = arith.index_cast %get3A_176 : i32 to index
    %get3A_178 = arith.constant 0 : index
    %get3A_179 = tpu.vector_load %arg15[%get3A_177, %get3A_178] {strides = array<i32>} : memref<2x128xf32, #tpu.memory_space<vmem>>, vector<16xf32>,
    %add3A_180 = arith.addf %get3A_175, %get3A_179 : vector<16xf32>
    %swap3A = arith.constant 0 : index
    %swap3A_181 = tpu.vector_load %arg16[%swap3A] {strides = array<i32>} : memref<256xf32, #tpu.memory_space<vmem>>, vector<16xf32>,
    tpu.vector_store %arg16[%swap3A], %add3A_180 {strides = array<i32>} : memref<256xf32, #tpu.memory_space<vmem>>, vector<16xf32>,
    %get3A_182 = arith.constant 0 : i32
    %get3A_183 = arith.index_cast %get3A_182 : i32 to index
    %get3A_184 = arith.constant 16 : index
    %get3A_185 = tpu.vector_load %arg14[%get3A_183, %get3A_184] {strides = array<i32>} : memref<2x128xf32, #tpu.memory_space<vmem>>, vector<16xf32>,
    %get3A_186 = arith.constant 0 : i32
    %get3A_187 = arith.index_cast %get3A_186 : i32 to index
    %get3A_188 = arith.constant 16 : index
    %get3A_189 = tpu.vector_load %arg15[%get3A_187, %get3A_188] {strides = array<i32>} : memref<2x128xf32, #tpu.memory_space<vmem>>, vector<16xf32>,
    %add3A_190 = arith.addf %get3A_185, %get3A_189 : vector<16xf32>
    %swap3A_191 = arith.constant 16 : index
    %swap3A_192 = tpu.vector_load %arg16[%swap3A_191] {strides = array<i32>} : memref<256xf32, #tpu.memory_space<vmem>>, vector<16xf32>,
    tpu.vector_store %arg16[%swap3A_191], %add3A_190 {strides = array<i32>} : memref<256xf32, #tpu.memory_space<vmem>>, vector<16xf32>,
    %get3A_193 = arith.constant 0 : i32
    %get3A_194 = arith.index_cast %get3A_193 : i32 to index
    %get3A_195 = arith.constant 32 : index
    %get3A_196 = tpu.vector_load %arg14[%get3A_194, %get3A_195] {strides = array<i32>} : memref<2x128xf32, #tpu.memory_space<vmem>>, vector<16xf32>,
    %get3A_197 = arith.constant 0 : i32
    %get3A_198 = arith.index_cast %get3A_197 : i32 to index
    %get3A_199 = arith.constant 32 : index
    %get3A_200 = tpu.vector_load %arg15[%get3A_198, %get3A_199] {strides = array<i32>} : memref<2x128xf32, #tpu.memory_space<vmem>>, vector<16xf32>,
    %add3A_201 = arith.addf %get3A_196, %get3A_200 : vector<16xf32>
    %swap3A_202 = arith.constant 32 : index
    %swap3A_203 = tpu.vector_load %arg16[%swap3A_202] {strides = array<i32>} : memref<256xf32, #tpu.memory_space<vmem>>, vector<16xf32>,
    tpu.vector_store %arg16[%swap3A_202], %add3A_201 {strides = array<i32>} : memref<256xf32, #tpu.memory_space<vmem>>, vector<16xf32>,
    %get3A_204 = arith.constant 0 : i32
    %get3A_205 = arith.index_cast %get3A_204 : i32 to index
    %get3A_206 = arith.constant 48 : index
    %get3A_207 = tpu.vector_load %arg14[%get3A_205, %get3A_206] {strides = array<i32>} : memref<2x128xf32, #tpu.memory_space<vmem>>, vector<16xf32>,
    %get3A_208 = arith.constant 0 : i32
    %get3A_209 = arith.index_cast %get3A_208 : i32 to index
    %get3A_210 = arith.constant 48 : index
    %get3A_211 = tpu.vector_load %arg15[%get3A_209, %get3A_210] {strides = array<i32>} : memref<2x128xf32, #tpu.memory_space<vmem>>, vector<16xf32>,
    %add3A_212 = arith.addf %get3A_207, %get3A_211 : vector<16xf32>
    %swap3A_213 = arith.constant 48 : index
    %swap3A_214 = tpu.vector_load %arg16[%swap3A_213] {strides = array<i32>} : memref<256xf32, #tpu.memory_space<vmem>>, vector<16xf32>,
    tpu.vector_store %arg16[%swap3A_213], %add3A_212 {strides = array<i32>} : memref<256xf32, #tpu.memory_space<vmem>>, vector<16xf32>,
    %get3A_215 = arith.constant 0 : i32
    %get3A_216 = arith.index_cast %get3A_215 : i32 to index
    %get3A_217 = arith.constant 64 : index
    %get3A_218 = tpu.vector_load %arg14[%get3A_216, %get3A_217] {strides = array<i32>} : memref<2x128xf32, #tpu.memory_space<vmem>>, vector<16xf32>,
    %get3A_219 = arith.constant 0 : i32
    %get3A_220 = arith.index_cast %get3A_219 : i32 to index
    %get3A_221 = arith.constant 64 : index
    %get3A_222 = tpu.vector_load %arg15[%get3A_220, %get3A_221] {strides = array<i32>} : memref<2x128xf32, #tpu.memory_space<vmem>>, vector<16xf32>,
    %add3A_223 = arith.addf %get3A_218, %get3A_222 : vector<16xf32>
    %swap3A_224 = arith.constant 64 : index
    %swap3A_225 = tpu.vector_load %arg16[%swap3A_224] {strides = array<i32>} : memref<256xf32, #tpu.memory_space<vmem>>, vector<16xf32>,
    tpu.vector_store %arg16[%swap3A_224], %add3A_223 {strides = array<i32>} : memref<256xf32, #tpu.memory_space<vmem>>, vector<16xf32>,
    %get3A_226 = arith.constant 0 : i32
    %get3A_227 = arith.index_cast %get3A_226 : i32 to index
    %get3A_228 = arith.constant 80 : index
    %get3A_229 = tpu.vector_load %arg14[%get3A_227, %get3A_228] {strides = array<i32>} : memref<2x128xf32, #tpu.memory_space<vmem>>, vector<16xf32>,
    %get3A_230 = arith.constant 0 : i32
    %get3A_231 = arith.index_cast %get3A_230 : i32 to index
    %get3A_232 = arith.constant 80 : index
    %get3A_233 = tpu.vector_load %arg15[%get3A_231, %get3A_232] {strides = array<i32>} : memref<2x128xf32, #tpu.memory_space<vmem>>, vector<16xf32>,
    %add3A_234 = arith.addf %get3A_229, %get3A_233 : vector<16xf32>
    %swap3A_235 = arith.constant 80 : index
    %swap3A_236 = tpu.vector_load %arg16[%swap3A_235] {strides = array<i32>} : memref<256xf32, #tpu.memory_space<vmem>>, vector<16xf32>,
    tpu.vector_store %arg16[%swap3A_235], %add3A_234 {strides = array<i32>} : memref<256xf32, #tpu.memory_space<vmem>>, vector<16xf32>,
    %get3A_237 = arith.constant 0 : i32
    %get3A_238 = arith.index_cast %get3A_237 : i32 to index
    %get3A_239 = arith.constant 96 : index
    %get3A_240 = tpu.vector_load %arg14[%get3A_238, %get3A_239] {strides = array<i32>} : memref<2x128xf32, #tpu.memory_space<vmem>>, vector<16xf32>,
    %get3A_241 = arith.constant 0 : i32
    %get3A_242 = arith.index_cast %get3A_241 : i32 to index
    %get3A_243 = arith.constant 96 : index
    %get3A_244 = tpu.vector_load %arg15[%get3A_242, %get3A_243] {strides = array<i32>} : memref<2x128xf32, #tpu.memory_space<vmem>>, vector<16xf32>,
    %add3A_245 = arith.addf %get3A_240, %get3A_244 : vector<16xf32>
    %swap3A_246 = arith.constant 96 : index
    %swap3A_247 = tpu.vector_load %arg16[%swap3A_246] {strides = array<i32>} : memref<256xf32, #tpu.memory_space<vmem>>, vector<16xf32>,
    tpu.vector_store %arg16[%swap3A_246], %add3A_245 {strides = array<i32>} : memref<256xf32, #tpu.memory_space<vmem>>, vector<16xf32>,
    %get3A_248 = arith.constant 0 : i32
    %get3A_249 = arith.index_cast %get3A_248 : i32 to index
    %get3A_250 = arith.constant 112 : index
    %get3A_251 = tpu.vector_load %arg14[%get3A_249, %get3A_250] {strides = array<i32>} : memref<2x128xf32, #tpu.memory_space<vmem>>, vector<16xf32>,
    %get3A_252 = arith.constant 0 : i32
    %get3A_253 = arith.index_cast %get3A_252 : i32 to index
    %get3A_254 = arith.constant 112 : index
    %get3A_255 = tpu.vector_load %arg15[%get3A_253, %get3A_254] {strides = array<i32>} : memref<2x128xf32, #tpu.memory_space<vmem>>, vector<16xf32>,
    %add3A_256 = arith.addf %get3A_251, %get3A_255 : vector<16xf32>
    %swap3A_257 = arith.constant 112 : index
    %swap3A_258 = tpu.vector_load %arg16[%swap3A_257] {strides = array<i32>} : memref<256xf32, #tpu.memory_space<vmem>>, vector<16xf32>,
    tpu.vector_store %arg16[%swap3A_257], %add3A_256 {strides = array<i32>} : memref<256xf32, #tpu.memory_space<vmem>>, vector<16xf32>,
    %get3A_259 = arith.constant 1 : i32
    %get3A_260 = arith.index_cast %get3A_259 : i32 to index
    %get3A_261 = arith.constant 0 : index
    %get3A_262 = tpu.vector_load %arg14[%get3A_260, %get3A_261] {strides = array<i32>} : memref<2x128xf32, #tpu.memory_space<vmem>>, vector<16xf32>,
    %get3A_263 = arith.constant 1 : i32
    %get3A_264 = arith.index_cast %get3A_263 : i32 to index
    %get3A_265 = arith.constant 0 : index
    %get3A_266 = tpu.vector_load %arg15[%get3A_264, %get3A_265] {strides = array<i32>} : memref<2x128xf32, #tpu.memory_space<vmem>>, vector<16xf32>,
    %add3A_267 = arith.addf %get3A_262, %get3A_266 : vector<16xf32>
    %swap3A_268 = arith.constant 128 : index
    %swap3A_269 = tpu.vector_load %arg16[%swap3A_268] {strides = array<i32>} : memref<256xf32, #tpu.memory_space<vmem>>, vector<16xf32>,
    tpu.vector_store %arg16[%swap3A_268], %add3A_267 {strides = array<i32>} : memref<256xf32, #tpu.memory_space<vmem>>, vector<16xf32>,
    %get3A_270 = arith.constant 1 : i32
    %get3A_271 = arith.index_cast %get3A_270 : i32 to index
    %get3A_272 = arith.constant 16 : index
    %get3A_273 = tpu.vector_load %arg14[%get3A_271, %get3A_272] {strides = array<i32>} : memref<2x128xf32, #tpu.memory_space<vmem>>, vector<16xf32>,
    %get3A_274 = arith.constant 1 : i32
    %get3A_275 = arith.index_cast %get3A_274 : i32 to index
    %get3A_276 = arith.constant 16 : index
    %get3A_277 = tpu.vector_load %arg15[%get3A_275, %get3A_276] {strides = array<i32>} : memref<2x128xf32, #tpu.memory_space<vmem>>, vector<16xf32>,
    %add3A_278 = arith.addf %get3A_273, %get3A_277 : vector<16xf32>
    %swap3A_279 = arith.constant 144 : index
    %swap3A_280 = tpu.vector_load %arg16[%swap3A_279] {strides = array<i32>} : memref<256xf32, #tpu.memory_space<vmem>>, vector<16xf32>,
    tpu.vector_store %arg16[%swap3A_279], %add3A_278 {strides = array<i32>} : memref<256xf32, #tpu.memory_space<vmem>>, vector<16xf32>,
    %get3A_281 = arith.constant 1 : i32
    %get3A_282 = arith.index_cast %get3A_281 : i32 to index
    %get3A_283 = arith.constant 32 : index
    %get3A_284 = tpu.vector_load %arg14[%get3A_282, %get3A_283] {strides = array<i32>} : memref<2x128xf32, #tpu.memory_space<vmem>>, vector<16xf32>,
    %get3A_285 = arith.constant 1 : i32
    %get3A_286 = arith.index_cast %get3A_285 : i32 to index
    %get3A_287 = arith.constant 32 : index
    %get3A_288 = tpu.vector_load %arg15[%get3A_286, %get3A_287] {strides = array<i32>} : memref<2x128xf32, #tpu.memory_space<vmem>>, vector<16xf32>,
    %add3A_289 = arith.addf %get3A_284, %get3A_288 : vector<16xf32>
    %swap3A_290 = arith.constant 160 : index
    %swap3A_291 = tpu.vector_load %arg16[%swap3A_290] {strides = array<i32>} : memref<256xf32, #tpu.memory_space<vmem>>, vector<16xf32>,
    tpu.vector_store %arg16[%swap3A_290], %add3A_289 {strides = array<i32>} : memref<256xf32, #tpu.memory_space<vmem>>, vector<16xf32>,
    %get3A_292 = arith.constant 1 : i32
    %get3A_293 = arith.index_cast %get3A_292 : i32 to index
    %get3A_294 = arith.constant 48 : index
    %get3A_295 = tpu.vector_load %arg14[%get3A_293, %get3A_294] {strides = array<i32>} : memref<2x128xf32, #tpu.memory_space<vmem>>, vector<16xf32>,
    %get3A_296 = arith.constant 1 : i32
    %get3A_297 = arith.index_cast %get3A_296 : i32 to index
    %get3A_298 = arith.constant 48 : index
    %get3A_299 = tpu.vector_load %arg15[%get3A_297, %get3A_298] {strides = array<i32>} : memref<2x128xf32, #tpu.memory_space<vmem>>, vector<16xf32>,
    %add3A_300 = arith.addf %get3A_295, %get3A_299 : vector<16xf32>
    %swap3A_301 = arith.constant 176 : index
    %swap3A_302 = tpu.vector_load %arg16[%swap3A_301] {strides = array<i32>} : memref<256xf32, #tpu.memory_space<vmem>>, vector<16xf32>,
    tpu.vector_store %arg16[%swap3A_301], %add3A_300 {strides = array<i32>} : memref<256xf32, #tpu.memory_space<vmem>>, vector<16xf32>,
    %get3A_303 = arith.constant 1 : i32
    %get3A_304 = arith.index_cast %get3A_303 : i32 to index
    %get3A_305 = arith.constant 64 : index
    %get3A_306 = tpu.vector_load %arg14[%get3A_304, %get3A_305] {strides = array<i32>} : memref<2x128xf32, #tpu.memory_space<vmem>>, vector<16xf32>,
    %get3A_307 = arith.constant 1 : i32
    %get3A_308 = arith.index_cast %get3A_307 : i32 to index
    %get3A_309 = arith.constant 64 : index
    %get3A_310 = tpu.vector_load %arg15[%get3A_308, %get3A_309] {strides = array<i32>} : memref<2x128xf32, #tpu.memory_space<vmem>>, vector<16xf32>,
    %add3A_311 = arith.addf %get3A_306, %get3A_310 : vector<16xf32>
    %swap3A_312 = arith.constant 192 : index
    %swap3A_313 = tpu.vector_load %arg16[%swap3A_312] {strides = array<i32>} : memref<256xf32, #tpu.memory_space<vmem>>, vector<16xf32>,
    tpu.vector_store %arg16[%swap3A_312], %add3A_311 {strides = array<i32>} : memref<256xf32, #tpu.memory_space<vmem>>, vector<16xf32>,
    %get3A_314 = arith.constant 1 : i32
    %get3A_315 = arith.index_cast %get3A_314 : i32 to index
    %get3A_316 = arith.constant 80 : index
    %get3A_317 = tpu.vector_load %arg14[%get3A_315, %get3A_316] {strides = array<i32>} : memref<2x128xf32, #tpu.memory_space<vmem>>, vector<16xf32>,
    %get3A_318 = arith.constant 1 : i32
    %get3A_319 = arith.index_cast %get3A_318 : i32 to index
    %get3A_320 = arith.constant 80 : index
    %get3A_321 = tpu.vector_load %arg15[%get3A_319, %get3A_320] {strides = array<i32>} : memref<2x128xf32, #tpu.memory_space<vmem>>, vector<16xf32>,
    %add3A_322 = arith.addf %get3A_317, %get3A_321 : vector<16xf32>
    %swap3A_323 = arith.constant 208 : index
    %swap3A_324 = tpu.vector_load %arg16[%swap3A_323] {strides = array<i32>} : memref<256xf32, #tpu.memory_space<vmem>>, vector<16xf32>,
    tpu.vector_store %arg16[%swap3A_323], %add3A_322 {strides = array<i32>} : memref<256xf32, #tpu.memory_space<vmem>>, vector<16xf32>,
    %get3A_325 = arith.constant 1 : i32
    %get3A_326 = arith.index_cast %get3A_325 : i32 to index
    %get3A_327 = arith.constant 96 : index
    %get3A_328 = tpu.vector_load %arg14[%get3A_326, %get3A_327] {strides = array<i32>} : memref<2x128xf32, #tpu.memory_space<vmem>>, vector<16xf32>,
    %get3A_329 = arith.constant 1 : i32
    %get3A_330 = arith.index_cast %get3A_329 : i32 to index
    %get3A_331 = arith.constant 96 : index
    %get3A_332 = tpu.vector_load %arg15[%get3A_330, %get3A_331] {strides = array<i32>} : memref<2x128xf32, #tpu.memory_space<vmem>>, vector<16xf32>,
    %add3A_333 = arith.addf %get3A_328, %get3A_332 : vector<16xf32>
    %swap3A_334 = arith.constant 224 : index
    %swap3A_335 = tpu.vector_load %arg16[%swap3A_334] {strides = array<i32>} : memref<256xf32, #tpu.memory_space<vmem>>, vector<16xf32>,
    tpu.vector_store %arg16[%swap3A_334], %add3A_333 {strides = array<i32>} : memref<256xf32, #tpu.memory_space<vmem>>, vector<16xf32>,
    %get3A_336 = arith.constant 1 : i32
    %get3A_337 = arith.index_cast %get3A_336 : i32 to index
    %get3A_338 = arith.constant 112 : index
    %get3A_339 = tpu.vector_load %arg14[%get3A_337, %get3A_338] {strides = array<i32>} : memref<2x128xf32, #tpu.memory_space<vmem>>, vector<16xf32>,
    %get3A_340 = arith.constant 1 : i32
    %get3A_341 = arith.index_cast %get3A_340 : i32 to index
    %get3A_342 = arith.constant 112 : index
    %get3A_343 = tpu.vector_load %arg15[%get3A_341, %get3A_342] {strides = array<i32>} : memref<2x128xf32, #tpu.memory_space<vmem>>, vector<16xf32>,
    %add3A_344 = arith.addf %get3A_339, %get3A_343 : vector<16xf32>
    %swap3A_345 = arith.constant 240 : index
    %swap3A_346 = tpu.vector_load %arg16[%swap3A_345] {strides = array<i32>} : memref<256xf32, #tpu.memory_space<vmem>>, vector<16xf32>,
    tpu.vector_store %arg16[%swap3A_345], %add3A_344 {strides = array<i32>} : memref<256xf32, #tpu.memory_space<vmem>>, vector<16xf32>,
    "tpu.region"() ({
      %run_scoped3A = tpu.sem_alloc : memref<!tpu.dma_semaphore, #tpu.memory_space<semaphore_mem>>
      %dma_start3A_347 = tpu.memref_slice %arg9[%mul3A_2] : memref<8192xf32, #tpu.memory_space<hbm>> -> memref<256xf32, #tpu.memory_space<hbm>>
      %dma_start3A_348 = tpu.memref_slice %arg9[%mul3A_2] : memref<8192xf32, #tpu.memory_space<hbm>> -> memref<256xf32, #tpu.memory_space<hbm>>
      tpu.enqueue_dma source(%arg16 : memref<256xf32, #tpu.memory_space<vmem>>) target(%dma_start3A_348 : memref<256xf32, #tpu.memory_space<hbm>>) target_semaphore(%run_scoped3A : memref<!tpu.dma_semaphore, #tpu.memory_space<semaphore_mem>>)
      %dma_wait3A_349 = tpu.memref_slice %arg9[%mul3A_2] : memref<8192xf32, #tpu.memory_space<hbm>> -> memref<256xf32, #tpu.memory_space<hbm>>
      %dma_wait3A_350 = tpu.memref_slice %arg9[%mul3A_2] : memref<8192xf32, #tpu.memory_space<hbm>> -> memref<256xf32, #tpu.memory_space<hbm>>
      tpu.wait_dma2 semaphore(%run_scoped3A : memref<!tpu.dma_semaphore, #tpu.memory_space<semaphore_mem>>) src(%arg16 : memref<256xf32, #tpu.memory_space<vmem>>) dst(%dma_wait3A_350 : memref<256xf32, #tpu.memory_space<hbm>>)
      tpu.yield
    }) : () -> ()
    return
  }
}

#map = affine_map<(d0, d1) -> (0, 0)>
#map1 = affine_map<(d0, d1) -> (0)>
module attributes {stable_mosaic.version = 14 : i64} {
  func.func @k(%arg0: i32, %arg1: i32, %arg2: memref<100000x128xf32, #tpu.memory_space<hbm>>, %arg3: memref<100000x128xf32, #tpu.memory_space<hbm>>, %arg4: memref<100096xf32, #tpu.memory_space<hbm>>, %arg5: memref<100096xf32, #tpu.memory_space<hbm>>, %arg6: memref<64x128xi32, #tpu.memory_space<hbm>>, %arg7: memref<64x128xi32, #tpu.memory_space<hbm>>, %arg8: memref<8192x256xf32, #tpu.memory_space<hbm>>, %arg9: memref<8192xf32, #tpu.memory_space<hbm>>, %arg10: memref<2x128xi32, #tpu.memory_space<vmem>>, %arg11: memref<2x128xi32, #tpu.memory_space<vmem>>, %arg12: memref<256x128xf32, #tpu.memory_space<vmem>>, %arg13: memref<256x128xf32, #tpu.memory_space<vmem>>, %arg14: memref<2x128xf32, #tpu.memory_space<vmem>>, %arg15: memref<2x128xf32, #tpu.memory_space<vmem>>, %arg16: memref<256xf32, #tpu.memory_space<vmem>>, %arg17: memref<6256xf32, #tpu.memory_space<vmem>>, %arg18: memref<6256xf32, #tpu.memory_space<vmem>>, %arg19: memref<100096xf32, #tpu.memory_space<vmem_shared>>, %arg20: memref<100096xf32, #tpu.memory_space<vmem_shared>>, %arg21: memref<!tpu.dma_semaphore, #tpu.memory_space<semaphore_mem>>, %arg22: memref<!tpu.dma_semaphore, #tpu.memory_space<semaphore_mem>>, %arg23: memref<!tpu.dma_semaphore, #tpu.memory_space<semaphore_mem>>) attributes {dimension_semantics = [#tpu.dimension_semantics<core_parallel>, #tpu.dimension_semantics<subcore_parallel>], iteration_bounds = array<i64: 2, 16>, scalar_prefetch = 0 : i64, scratch_operands = 14 : i64, tpu.core_type = #tpu.core_type<sc_vector_subcore>, window_params = [{transform_indices = #map}, {transform_indices = #map}, {transform_indices = #map1}, {transform_indices = #map1}, {transform_indices = #map}, {transform_indices = #map}, {transform_indices = #map}, {transform_indices = #map1}]} {
    %mul3A = arith.constant 2 : i32
    %mul3A_0 = arith.muli %arg1, %mul3A : i32
    %add3A = arith.addi %mul3A_0, %arg0 : i32
    %mul3A_1 = arith.constant 256 : i32
    %mul3A_2 = arith.muli %add3A, %mul3A_1 : i32
    %mul3A_3 = arith.constant 2 : i32
    %mul3A_4 = arith.muli %add3A, %mul3A_3 : i32
    "tpu.region"() ({
      %run_scoped3A = tpu.sem_alloc : memref<!tpu.dma_semaphore, #tpu.memory_space<semaphore_mem>>
      %dma_start3A_347 = arith.constant 0 : i32
      %dma_start3A_348 = tpu.memref_slice %arg6[%mul3A_4, %dma_start3A_347] : memref<64x128xi32, #tpu.memory_space<hbm>> -> memref<2x128xi32, #tpu.memory_space<hbm>>
      %dma_start3A_349 = arith.constant 0 : i32
      %dma_start3A_350 = tpu.memref_slice %arg6[%mul3A_4, %dma_start3A_349] : memref<64x128xi32, #tpu.memory_space<hbm>> -> memref<2x128xi32, #tpu.memory_space<hbm>>
      tpu.enqueue_dma source(%dma_start3A_350 : memref<2x128xi32, #tpu.memory_space<hbm>>) target(%arg10 : memref<2x128xi32, #tpu.memory_space<vmem>>) target_semaphore(%run_scoped3A : memref<!tpu.dma_semaphore, #tpu.memory_space<semaphore_mem>>)
      %dma_wait3A_351 = arith.constant 0 : i32
      %dma_wait3A_352 = tpu.memref_slice %arg6[%mul3A_4, %dma_wait3A_351] : memref<64x128xi32, #tpu.memory_space<hbm>> -> memref<2x128xi32, #tpu.memory_space<hbm>>
      %dma_wait3A_353 = arith.constant 0 : i32
      %dma_wait3A_354 = tpu.memref_slice %arg6[%mul3A_4, %dma_wait3A_353] : memref<64x128xi32, #tpu.memory_space<hbm>> -> memref<2x128xi32, #tpu.memory_space<hbm>>
      tpu.wait_dma2 semaphore(%run_scoped3A : memref<!tpu.dma_semaphore, #tpu.memory_space<semaphore_mem>>) src(%dma_wait3A_354 : memref<2x128xi32, #tpu.memory_space<hbm>>) dst(%arg10 : memref<2x128xi32, #tpu.memory_space<vmem>>)
      tpu.yield
    }) : () -> ()
    "tpu.region"() ({
      %run_scoped3A = tpu.sem_alloc : memref<!tpu.dma_semaphore, #tpu.memory_space<semaphore_mem>>
      %dma_start3A_347 = arith.constant 0 : i32
      %dma_start3A_348 = tpu.memref_slice %arg7[%mul3A_4, %dma_start3A_347] : memref<64x128xi32, #tpu.memory_space<hbm>> -> memref<2x128xi32, #tpu.memory_space<hbm>>
      %dma_start3A_349 = arith.constant 0 : i32
      %dma_start3A_350 = tpu.memref_slice %arg7[%mul3A_4, %dma_start3A_349] : memref<64x128xi32, #tpu.memory_space<hbm>> -> memref<2x128xi32, #tpu.memory_space<hbm>>
      tpu.enqueue_dma source(%dma_start3A_350 : memref<2x128xi32, #tpu.memory_space<hbm>>) target(%arg11 : memref<2x128xi32, #tpu.memory_space<vmem>>) target_semaphore(%run_scoped3A : memref<!tpu.dma_semaphore, #tpu.memory_space<semaphore_mem>>)
      %dma_wait3A_351 = arith.constant 0 : i32
      %dma_wait3A_352 = tpu.memref_slice %arg7[%mul3A_4, %dma_wait3A_351] : memref<64x128xi32, #tpu.memory_space<hbm>> -> memref<2x128xi32, #tpu.memory_space<hbm>>
      %dma_wait3A_353 = arith.constant 0 : i32
      %dma_wait3A_354 = tpu.memref_slice %arg7[%mul3A_4, %dma_wait3A_353] : memref<64x128xi32, #tpu.memory_space<hbm>> -> memref<2x128xi32, #tpu.memory_space<hbm>>
      tpu.wait_dma2 semaphore(%run_scoped3A : memref<!tpu.dma_semaphore, #tpu.memory_space<semaphore_mem>>) src(%dma_wait3A_354 : memref<2x128xi32, #tpu.memory_space<hbm>>) dst(%arg11 : memref<2x128xi32, #tpu.memory_space<vmem>>)
      tpu.yield
    }) : () -> ()
    %dma_start3A = arith.constant 0 : i32
    %dma_start3A_5 = arith.constant 0 : i32
    %dma_start3A_6 = arith.constant 0 : i32
    %dma_start3A_7 = tpu.memref_slice %arg12[%dma_start3A_5, %dma_start3A_6] : memref<256x128xf32, #tpu.memory_space<vmem>> -> memref<128x128xf32, #tpu.memory_space<vmem>>
    %dma_start3A_8 = arith.constant 0 : i32
    %dma_start3A_9 = tpu.memref_slice %arg10[%dma_start3A, %dma_start3A_8] : memref<2x128xi32, #tpu.memory_space<vmem>> -> memref<1x128xi32, #tpu.memory_space<vmem>>
    %dma_start3A_10 = tpu.memref_squeeze %dma_start3A_9 : memref<1x128xi32, #tpu.memory_space<vmem>> -> memref<128xi32, #tpu.memory_space<vmem>>
    %dma_start3A_11 = arith.constant 0 : i32
    %dma_start3A_12 = arith.constant 0 : i32
    %dma_start3A_13 = tpu.memref_slice %arg2[%dma_start3A_11, %dma_start3A_12] : memref<100000x128xf32, #tpu.memory_space<hbm>> -> memref<100000x128xf32, #tpu.memory_space<hbm>>
    tpu.enqueue_indirect_dma source(%dma_start3A_13 : memref<100000x128xf32, #tpu.memory_space<hbm>>) target(%dma_start3A_7 : memref<128x128xf32, #tpu.memory_space<vmem>>) offsets(%dma_start3A_10 : memref<128xi32, #tpu.memory_space<vmem>>) semaphore(%arg21 : memref<!tpu.dma_semaphore, #tpu.memory_space<semaphore_mem>>)
    %dma_start3A_14 = arith.constant 1 : i32
    %dma_start3A_15 = arith.constant 128 : i32
    %dma_start3A_16 = arith.constant 0 : i32
    %dma_start3A_17 = tpu.memref_slice %arg12[%dma_start3A_15, %dma_start3A_16] : memref<256x128xf32, #tpu.memory_space<vmem>> -> memref<128x128xf32, #tpu.memory_space<vmem>>
    %dma_start3A_18 = arith.constant 0 : i32
    %dma_start3A_19 = tpu.memref_slice %arg10[%dma_start3A_14, %dma_start3A_18] : memref<2x128xi32, #tpu.memory_space<vmem>> -> memref<1x128xi32, #tpu.memory_space<vmem>>
    %dma_start3A_20 = tpu.memref_squeeze %dma_start3A_19 : memref<1x128xi32, #tpu.memory_space<vmem>> -> memref<128xi32, #tpu.memory_space<vmem>>
    %dma_start3A_21 = arith.constant 0 : i32
    %dma_start3A_22 = arith.constant 0 : i32
    %dma_start3A_23 = tpu.memref_slice %arg2[%dma_start3A_21, %dma_start3A_22] : memref<100000x128xf32, #tpu.memory_space<hbm>> -> memref<100000x128xf32, #tpu.memory_space<hbm>>
    tpu.enqueue_indirect_dma source(%dma_start3A_23 : memref<100000x128xf32, #tpu.memory_space<hbm>>) target(%dma_start3A_17 : memref<128x128xf32, #tpu.memory_space<vmem>>) offsets(%dma_start3A_20 : memref<128xi32, #tpu.memory_space<vmem>>) semaphore(%arg21 : memref<!tpu.dma_semaphore, #tpu.memory_space<semaphore_mem>>)
    %dma_start3A_24 = arith.constant 0 : i32
    %dma_start3A_25 = arith.constant 0 : i32
    %dma_start3A_26 = arith.constant 0 : i32
    %dma_start3A_27 = tpu.memref_slice %arg13[%dma_start3A_25, %dma_start3A_26] : memref<256x128xf32, #tpu.memory_space<vmem>> -> memref<128x128xf32, #tpu.memory_space<vmem>>
    %dma_start3A_28 = arith.constant 0 : i32
    %dma_start3A_29 = tpu.memref_slice %arg11[%dma_start3A_24, %dma_start3A_28] : memref<2x128xi32, #tpu.memory_space<vmem>> -> memref<1x128xi32, #tpu.memory_space<vmem>>
    %dma_start3A_30 = tpu.memref_squeeze %dma_start3A_29 : memref<1x128xi32, #tpu.memory_space<vmem>> -> memref<128xi32, #tpu.memory_space<vmem>>
    %dma_start3A_31 = arith.constant 0 : i32
    %dma_start3A_32 = arith.constant 0 : i32
    %dma_start3A_33 = tpu.memref_slice %arg3[%dma_start3A_31, %dma_start3A_32] : memref<100000x128xf32, #tpu.memory_space<hbm>> -> memref<100000x128xf32, #tpu.memory_space<hbm>>
    tpu.enqueue_indirect_dma source(%dma_start3A_33 : memref<100000x128xf32, #tpu.memory_space<hbm>>) target(%dma_start3A_27 : memref<128x128xf32, #tpu.memory_space<vmem>>) offsets(%dma_start3A_30 : memref<128xi32, #tpu.memory_space<vmem>>) semaphore(%arg21 : memref<!tpu.dma_semaphore, #tpu.memory_space<semaphore_mem>>)
    %dma_start3A_34 = arith.constant 1 : i32
    %dma_start3A_35 = arith.constant 128 : i32
    %dma_start3A_36 = arith.constant 0 : i32
    %dma_start3A_37 = tpu.memref_slice %arg13[%dma_start3A_35, %dma_start3A_36] : memref<256x128xf32, #tpu.memory_space<vmem>> -> memref<128x128xf32, #tpu.memory_space<vmem>>
    %dma_start3A_38 = arith.constant 0 : i32
    %dma_start3A_39 = tpu.memref_slice %arg11[%dma_start3A_34, %dma_start3A_38] : memref<2x128xi32, #tpu.memory_space<vmem>> -> memref<1x128xi32, #tpu.memory_space<vmem>>
    %dma_start3A_40 = tpu.memref_squeeze %dma_start3A_39 : memref<1x128xi32, #tpu.memory_space<vmem>> -> memref<128xi32, #tpu.memory_space<vmem>>
    %dma_start3A_41 = arith.constant 0 : i32
    %dma_start3A_42 = arith.constant 0 : i32
    %dma_start3A_43 = tpu.memref_slice %arg3[%dma_start3A_41, %dma_start3A_42] : memref<100000x128xf32, #tpu.memory_space<hbm>> -> memref<100000x128xf32, #tpu.memory_space<hbm>>
    tpu.enqueue_indirect_dma source(%dma_start3A_43 : memref<100000x128xf32, #tpu.memory_space<hbm>>) target(%dma_start3A_37 : memref<128x128xf32, #tpu.memory_space<vmem>>) offsets(%dma_start3A_40 : memref<128xi32, #tpu.memory_space<vmem>>) semaphore(%arg21 : memref<!tpu.dma_semaphore, #tpu.memory_space<semaphore_mem>>)
    %mul3A_44 = arith.constant 6256 : i32
    %mul3A_45 = arith.muli %arg1, %mul3A_44 : i32
    "tpu.region"() ({
      %run_scoped3A = tpu.sem_alloc : memref<!tpu.dma_semaphore, #tpu.memory_space<semaphore_mem>>
      %dma_start3A_347 = tpu.memref_slice %arg4[%mul3A_45] : memref<100096xf32, #tpu.memory_space<hbm>> -> memref<6256xf32, #tpu.memory_space<hbm>>
      %dma_start3A_348 = tpu.memref_slice %arg4[%mul3A_45] : memref<100096xf32, #tpu.memory_space<hbm>> -> memref<6256xf32, #tpu.memory_space<hbm>>
      tpu.enqueue_dma source(%dma_start3A_348 : memref<6256xf32, #tpu.memory_space<hbm>>) target(%arg17 : memref<6256xf32, #tpu.memory_space<vmem>>) target_semaphore(%run_scoped3A : memref<!tpu.dma_semaphore, #tpu.memory_space<semaphore_mem>>)
      %dma_wait3A_349 = tpu.memref_slice %arg4[%mul3A_45] : memref<100096xf32, #tpu.memory_space<hbm>> -> memref<6256xf32, #tpu.memory_space<hbm>>
      %dma_wait3A_350 = tpu.memref_slice %arg4[%mul3A_45] : memref<100096xf32, #tpu.memory_space<hbm>> -> memref<6256xf32, #tpu.memory_space<hbm>>
      tpu.wait_dma2 semaphore(%run_scoped3A : memref<!tpu.dma_semaphore, #tpu.memory_space<semaphore_mem>>) src(%dma_wait3A_350 : memref<6256xf32, #tpu.memory_space<hbm>>) dst(%arg17 : memref<6256xf32, #tpu.memory_space<vmem>>)
      tpu.yield
    }) : () -> ()
    "tpu.region"() ({
      %run_scoped3A = tpu.sem_alloc : memref<!tpu.dma_semaphore, #tpu.memory_space<semaphore_mem>>
      %dma_start3A_347 = tpu.memref_slice %arg5[%mul3A_45] : memref<100096xf32, #tpu.memory_space<hbm>> -> memref<6256xf32, #tpu.memory_space<hbm>>
      %dma_start3A_348 = tpu.memref_slice %arg5[%mul3A_45] : memref<100096xf32, #tpu.memory_space<hbm>> -> memref<6256xf32, #tpu.memory_space<hbm>>
      tpu.enqueue_dma source(%dma_start3A_348 : memref<6256xf32, #tpu.memory_space<hbm>>) target(%arg18 : memref<6256xf32, #tpu.memory_space<vmem>>) target_semaphore(%run_scoped3A : memref<!tpu.dma_semaphore, #tpu.memory_space<semaphore_mem>>)
      %dma_wait3A_349 = tpu.memref_slice %arg5[%mul3A_45] : memref<100096xf32, #tpu.memory_space<hbm>> -> memref<6256xf32, #tpu.memory_space<hbm>>
      %dma_wait3A_350 = tpu.memref_slice %arg5[%mul3A_45] : memref<100096xf32, #tpu.memory_space<hbm>> -> memref<6256xf32, #tpu.memory_space<hbm>>
      tpu.wait_dma2 semaphore(%run_scoped3A : memref<!tpu.dma_semaphore, #tpu.memory_space<semaphore_mem>>) src(%dma_wait3A_350 : memref<6256xf32, #tpu.memory_space<hbm>>) dst(%arg18 : memref<6256xf32, #tpu.memory_space<vmem>>)
      tpu.yield
    }) : () -> ()
    %dma_start3A_46 = tpu.memref_slice %arg19[%mul3A_45] : memref<100096xf32, #tpu.memory_space<vmem_shared>> -> memref<6256xf32, #tpu.memory_space<vmem_shared>>
    %dma_start3A_47 = tpu.memref_slice %arg19[%mul3A_45] : memref<100096xf32, #tpu.memory_space<vmem_shared>> -> memref<6256xf32, #tpu.memory_space<vmem_shared>>
    tpu.enqueue_dma source(%arg17 : memref<6256xf32, #tpu.memory_space<vmem>>) target(%dma_start3A_47 : memref<6256xf32, #tpu.memory_space<vmem_shared>>) target_semaphore(%arg22 : memref<!tpu.dma_semaphore, #tpu.memory_space<semaphore_mem>>)
    %dma_start3A_48 = tpu.memref_slice %arg20[%mul3A_45] : memref<100096xf32, #tpu.memory_space<vmem_shared>> -> memref<6256xf32, #tpu.memory_space<vmem_shared>>
    %dma_start3A_49 = tpu.memref_slice %arg20[%mul3A_45] : memref<100096xf32, #tpu.memory_space<vmem_shared>> -> memref<6256xf32, #tpu.memory_space<vmem_shared>>
    tpu.enqueue_dma source(%arg18 : memref<6256xf32, #tpu.memory_space<vmem>>) target(%dma_start3A_49 : memref<6256xf32, #tpu.memory_space<vmem_shared>>) target_semaphore(%arg22 : memref<!tpu.dma_semaphore, #tpu.memory_space<semaphore_mem>>)
    %dma_wait3A = tpu.memref_slice %arg19[%mul3A_45] : memref<100096xf32, #tpu.memory_space<vmem_shared>> -> memref<6256xf32, #tpu.memory_space<vmem_shared>>
    %dma_wait3A_50 = tpu.memref_slice %arg19[%mul3A_45] : memref<100096xf32, #tpu.memory_space<vmem_shared>> -> memref<6256xf32, #tpu.memory_space<vmem_shared>>
    tpu.wait_dma2 semaphore(%arg22 : memref<!tpu.dma_semaphore, #tpu.memory_space<semaphore_mem>>) src(%arg17 : memref<6256xf32, #tpu.memory_space<vmem>>) dst(%dma_wait3A_50 : memref<6256xf32, #tpu.memory_space<vmem_shared>>)
    %dma_wait3A_51 = tpu.memref_slice %arg20[%mul3A_45] : memref<100096xf32, #tpu.memory_space<vmem_shared>> -> memref<6256xf32, #tpu.memory_space<vmem_shared>>
    %dma_wait3A_52 = tpu.memref_slice %arg20[%mul3A_45] : memref<100096xf32, #tpu.memory_space<vmem_shared>> -> memref<6256xf32, #tpu.memory_space<vmem_shared>>
    tpu.wait_dma2 semaphore(%arg22 : memref<!tpu.dma_semaphore, #tpu.memory_space<semaphore_mem>>) src(%arg18 : memref<6256xf32, #tpu.memory_space<vmem>>) dst(%dma_wait3A_52 : memref<6256xf32, #tpu.memory_space<vmem_shared>>)
    %barrier3A = arith.constant 0 : index
    tpu.barrier barrier_id(%barrier3A)
    %dma_start3A_53 = arith.constant 0 : i32
    %dma_start3A_54 = arith.constant 0 : i32
    %dma_start3A_55 = arith.constant 0 : i32
    %dma_start3A_56 = tpu.memref_slice %arg14[%dma_start3A_54, %dma_start3A_55] : memref<2x128xf32, #tpu.memory_space<vmem>> -> memref<1x128xf32, #tpu.memory_space<vmem>>
    %dma_start3A_57 = tpu.memref_squeeze %dma_start3A_56 : memref<1x128xf32, #tpu.memory_space<vmem>> -> memref<128xf32, #tpu.memory_space<vmem>>
    %dma_start3A_58 = arith.constant 0 : i32
    %dma_start3A_59 = tpu.memref_slice %arg10[%dma_start3A_53, %dma_start3A_58] : memref<2x128xi32, #tpu.memory_space<vmem>> -> memref<1x128xi32, #tpu.memory_space<vmem>>
    %dma_start3A_60 = tpu.memref_squeeze %dma_start3A_59 : memref<1x128xi32, #tpu.memory_space<vmem>> -> memref<128xi32, #tpu.memory_space<vmem>>
    %dma_start3A_61 = arith.constant 0 : i32
    %dma_start3A_62 = tpu.memref_slice %arg19[%dma_start3A_61] : memref<100096xf32, #tpu.memory_space<vmem_shared>> -> memref<100096xf32, #tpu.memory_space<vmem_shared>>
    tpu.enqueue_indirect_dma source(%dma_start3A_62 : memref<100096xf32, #tpu.memory_space<vmem_shared>>) target(%dma_start3A_57 : memref<128xf32, #tpu.memory_space<vmem>>) offsets(%dma_start3A_60 : memref<128xi32, #tpu.memory_space<vmem>>) semaphore(%arg23 : memref<!tpu.dma_semaphore, #tpu.memory_space<semaphore_mem>>)
    %dma_start3A_63 = arith.constant 1 : i32
    %dma_start3A_64 = arith.constant 1 : i32
    %dma_start3A_65 = arith.constant 0 : i32
    %dma_start3A_66 = tpu.memref_slice %arg14[%dma_start3A_64, %dma_start3A_65] : memref<2x128xf32, #tpu.memory_space<vmem>> -> memref<1x128xf32, #tpu.memory_space<vmem>>
    %dma_start3A_67 = tpu.memref_squeeze %dma_start3A_66 : memref<1x128xf32, #tpu.memory_space<vmem>> -> memref<128xf32, #tpu.memory_space<vmem>>
    %dma_start3A_68 = arith.constant 0 : i32
    %dma_start3A_69 = tpu.memref_slice %arg10[%dma_start3A_63, %dma_start3A_68] : memref<2x128xi32, #tpu.memory_space<vmem>> -> memref<1x128xi32, #tpu.memory_space<vmem>>
    %dma_start3A_70 = tpu.memref_squeeze %dma_start3A_69 : memref<1x128xi32, #tpu.memory_space<vmem>> -> memref<128xi32, #tpu.memory_space<vmem>>
    %dma_start3A_71 = arith.constant 0 : i32
    %dma_start3A_72 = tpu.memref_slice %arg19[%dma_start3A_71] : memref<100096xf32, #tpu.memory_space<vmem_shared>> -> memref<100096xf32, #tpu.memory_space<vmem_shared>>
    tpu.enqueue_indirect_dma source(%dma_start3A_72 : memref<100096xf32, #tpu.memory_space<vmem_shared>>) target(%dma_start3A_67 : memref<128xf32, #tpu.memory_space<vmem>>) offsets(%dma_start3A_70 : memref<128xi32, #tpu.memory_space<vmem>>) semaphore(%arg23 : memref<!tpu.dma_semaphore, #tpu.memory_space<semaphore_mem>>)
    %dma_start3A_73 = arith.constant 0 : i32
    %dma_start3A_74 = arith.constant 0 : i32
    %dma_start3A_75 = arith.constant 0 : i32
    %dma_start3A_76 = tpu.memref_slice %arg15[%dma_start3A_74, %dma_start3A_75] : memref<2x128xf32, #tpu.memory_space<vmem>> -> memref<1x128xf32, #tpu.memory_space<vmem>>
    %dma_start3A_77 = tpu.memref_squeeze %dma_start3A_76 : memref<1x128xf32, #tpu.memory_space<vmem>> -> memref<128xf32, #tpu.memory_space<vmem>>
    %dma_start3A_78 = arith.constant 0 : i32
    %dma_start3A_79 = tpu.memref_slice %arg11[%dma_start3A_73, %dma_start3A_78] : memref<2x128xi32, #tpu.memory_space<vmem>> -> memref<1x128xi32, #tpu.memory_space<vmem>>
    %dma_start3A_80 = tpu.memref_squeeze %dma_start3A_79 : memref<1x128xi32, #tpu.memory_space<vmem>> -> memref<128xi32, #tpu.memory_space<vmem>>
    %dma_start3A_81 = arith.constant 0 : i32
    %dma_start3A_82 = tpu.memref_slice %arg20[%dma_start3A_81] : memref<100096xf32, #tpu.memory_space<vmem_shared>> -> memref<100096xf32, #tpu.memory_space<vmem_shared>>
    tpu.enqueue_indirect_dma source(%dma_start3A_82 : memref<100096xf32, #tpu.memory_space<vmem_shared>>) target(%dma_start3A_77 : memref<128xf32, #tpu.memory_space<vmem>>) offsets(%dma_start3A_80 : memref<128xi32, #tpu.memory_space<vmem>>) semaphore(%arg23 : memref<!tpu.dma_semaphore, #tpu.memory_space<semaphore_mem>>)
    %dma_start3A_83 = arith.constant 1 : i32
    %dma_start3A_84 = arith.constant 1 : i32
    %dma_start3A_85 = arith.constant 0 : i32
    %dma_start3A_86 = tpu.memref_slice %arg15[%dma_start3A_84, %dma_start3A_85] : memref<2x128xf32, #tpu.memory_space<vmem>> -> memref<1x128xf32, #tpu.memory_space<vmem>>
    %dma_start3A_87 = tpu.memref_squeeze %dma_start3A_86 : memref<1x128xf32, #tpu.memory_space<vmem>> -> memref<128xf32, #tpu.memory_space<vmem>>
    %dma_start3A_88 = arith.constant 0 : i32
    %dma_start3A_89 = tpu.memref_slice %arg11[%dma_start3A_83, %dma_start3A_88] : memref<2x128xi32, #tpu.memory_space<vmem>> -> memref<1x128xi32, #tpu.memory_space<vmem>>
    %dma_start3A_90 = tpu.memref_squeeze %dma_start3A_89 : memref<1x128xi32, #tpu.memory_space<vmem>> -> memref<128xi32, #tpu.memory_space<vmem>>
    %dma_start3A_91 = arith.constant 0 : i32
    %dma_start3A_92 = tpu.memref_slice %arg20[%dma_start3A_91] : memref<100096xf32, #tpu.memory_space<vmem_shared>> -> memref<100096xf32, #tpu.memory_space<vmem_shared>>
    tpu.enqueue_indirect_dma source(%dma_start3A_92 : memref<100096xf32, #tpu.memory_space<vmem_shared>>) target(%dma_start3A_87 : memref<128xf32, #tpu.memory_space<vmem>>) offsets(%dma_start3A_90 : memref<128xi32, #tpu.memory_space<vmem>>) semaphore(%arg23 : memref<!tpu.dma_semaphore, #tpu.memory_space<semaphore_mem>>)
    %dma_wait3A_93 = arith.constant 0 : i32
    %dma_wait3A_94 = arith.constant 0 : i32
    %dma_wait3A_95 = arith.constant 0 : i32
    %dma_wait3A_96 = tpu.memref_slice %arg12[%dma_wait3A_94, %dma_wait3A_95] : memref<256x128xf32, #tpu.memory_space<vmem>> -> memref<128x128xf32, #tpu.memory_space<vmem>>
    %dma_wait3A_97 = arith.constant 0 : i32
    %dma_wait3A_98 = tpu.memref_slice %arg10[%dma_wait3A_93, %dma_wait3A_97] : memref<2x128xi32, #tpu.memory_space<vmem>> -> memref<1x128xi32, #tpu.memory_space<vmem>>
    %dma_wait3A_99 = tpu.memref_squeeze %dma_wait3A_98 : memref<1x128xi32, #tpu.memory_space<vmem>> -> memref<128xi32, #tpu.memory_space<vmem>>
    %dma_wait3A_100 = arith.constant 0 : i32
    %dma_wait3A_101 = arith.constant 0 : i32
    %dma_wait3A_102 = tpu.memref_slice %arg2[%dma_wait3A_100, %dma_wait3A_101] : memref<100000x128xf32, #tpu.memory_space<hbm>> -> memref<100000x128xf32, #tpu.memory_space<hbm>>
    tpu.wait_indirect_dma semaphore(%arg21 : memref<!tpu.dma_semaphore, #tpu.memory_space<semaphore_mem>>) src(%dma_wait3A_102 : memref<100000x128xf32, #tpu.memory_space<hbm>>) dst(%dma_wait3A_96 : memref<128x128xf32, #tpu.memory_space<vmem>>)
    %dma_wait3A_103 = arith.constant 1 : i32
    %dma_wait3A_104 = arith.constant 128 : i32
    %dma_wait3A_105 = arith.constant 0 : i32
    %dma_wait3A_106 = tpu.memref_slice %arg12[%dma_wait3A_104, %dma_wait3A_105] : memref<256x128xf32, #tpu.memory_space<vmem>> -> memref<128x128xf32, #tpu.memory_space<vmem>>
    %dma_wait3A_107 = arith.constant 0 : i32
    %dma_wait3A_108 = tpu.memref_slice %arg10[%dma_wait3A_103, %dma_wait3A_107] : memref<2x128xi32, #tpu.memory_space<vmem>> -> memref<1x128xi32, #tpu.memory_space<vmem>>
    %dma_wait3A_109 = tpu.memref_squeeze %dma_wait3A_108 : memref<1x128xi32, #tpu.memory_space<vmem>> -> memref<128xi32, #tpu.memory_space<vmem>>
    %dma_wait3A_110 = arith.constant 0 : i32
    %dma_wait3A_111 = arith.constant 0 : i32
    %dma_wait3A_112 = tpu.memref_slice %arg2[%dma_wait3A_110, %dma_wait3A_111] : memref<100000x128xf32, #tpu.memory_space<hbm>> -> memref<100000x128xf32, #tpu.memory_space<hbm>>
    tpu.wait_indirect_dma semaphore(%arg21 : memref<!tpu.dma_semaphore, #tpu.memory_space<semaphore_mem>>) src(%dma_wait3A_112 : memref<100000x128xf32, #tpu.memory_space<hbm>>) dst(%dma_wait3A_106 : memref<128x128xf32, #tpu.memory_space<vmem>>)
    %dma_wait3A_113 = arith.constant 0 : i32
    %dma_wait3A_114 = arith.constant 0 : i32
    %dma_wait3A_115 = arith.constant 0 : i32
    %dma_wait3A_116 = tpu.memref_slice %arg13[%dma_wait3A_114, %dma_wait3A_115] : memref<256x128xf32, #tpu.memory_space<vmem>> -> memref<128x128xf32, #tpu.memory_space<vmem>>
    %dma_wait3A_117 = arith.constant 0 : i32
    %dma_wait3A_118 = tpu.memref_slice %arg11[%dma_wait3A_113, %dma_wait3A_117] : memref<2x128xi32, #tpu.memory_space<vmem>> -> memref<1x128xi32, #tpu.memory_space<vmem>>
    %dma_wait3A_119 = tpu.memref_squeeze %dma_wait3A_118 : memref<1x128xi32, #tpu.memory_space<vmem>> -> memref<128xi32, #tpu.memory_space<vmem>>
    %dma_wait3A_120 = arith.constant 0 : i32
    %dma_wait3A_121 = arith.constant 0 : i32
    %dma_wait3A_122 = tpu.memref_slice %arg3[%dma_wait3A_120, %dma_wait3A_121] : memref<100000x128xf32, #tpu.memory_space<hbm>> -> memref<100000x128xf32, #tpu.memory_space<hbm>>
    tpu.wait_indirect_dma semaphore(%arg21 : memref<!tpu.dma_semaphore, #tpu.memory_space<semaphore_mem>>) src(%dma_wait3A_122 : memref<100000x128xf32, #tpu.memory_space<hbm>>) dst(%dma_wait3A_116 : memref<128x128xf32, #tpu.memory_space<vmem>>)
    %dma_wait3A_123 = arith.constant 1 : i32
    %dma_wait3A_124 = arith.constant 128 : i32
    %dma_wait3A_125 = arith.constant 0 : i32
    %dma_wait3A_126 = tpu.memref_slice %arg13[%dma_wait3A_124, %dma_wait3A_125] : memref<256x128xf32, #tpu.memory_space<vmem>> -> memref<128x128xf32, #tpu.memory_space<vmem>>
    %dma_wait3A_127 = arith.constant 0 : i32
    %dma_wait3A_128 = tpu.memref_slice %arg11[%dma_wait3A_123, %dma_wait3A_127] : memref<2x128xi32, #tpu.memory_space<vmem>> -> memref<1x128xi32, #tpu.memory_space<vmem>>
    %dma_wait3A_129 = tpu.memref_squeeze %dma_wait3A_128 : memref<1x128xi32, #tpu.memory_space<vmem>> -> memref<128xi32, #tpu.memory_space<vmem>>
    %dma_wait3A_130 = arith.constant 0 : i32
    %dma_wait3A_131 = arith.constant 0 : i32
    %dma_wait3A_132 = tpu.memref_slice %arg3[%dma_wait3A_130, %dma_wait3A_131] : memref<100000x128xf32, #tpu.memory_space<hbm>> -> memref<100000x128xf32, #tpu.memory_space<hbm>>
    tpu.wait_indirect_dma semaphore(%arg21 : memref<!tpu.dma_semaphore, #tpu.memory_space<semaphore_mem>>) src(%dma_wait3A_132 : memref<100000x128xf32, #tpu.memory_space<hbm>>) dst(%dma_wait3A_126 : memref<128x128xf32, #tpu.memory_space<vmem>>)
    "tpu.region"() ({
      %run_scoped3A = tpu.sem_alloc : memref<!tpu.dma_semaphore, #tpu.memory_space<semaphore_mem>>
      %dma_start3A_347 = arith.constant 0 : i32
      %dma_start3A_348 = tpu.memref_slice %arg8[%mul3A_2, %dma_start3A_347] : memref<8192x256xf32, #tpu.memory_space<hbm>> -> memref<256x128xf32, #tpu.memory_space<hbm>>
      %dma_start3A_349 = arith.constant 0 : i32
      %dma_start3A_350 = tpu.memref_slice %arg8[%mul3A_2, %dma_start3A_349] : memref<8192x256xf32, #tpu.memory_space<hbm>> -> memref<256x128xf32, #tpu.memory_space<hbm>>
      tpu.enqueue_dma source(%arg12 : memref<256x128xf32, #tpu.memory_space<vmem>>) target(%dma_start3A_350 : memref<256x128xf32, #tpu.memory_space<hbm>>) target_semaphore(%run_scoped3A : memref<!tpu.dma_semaphore, #tpu.memory_space<semaphore_mem>>)
      %dma_wait3A_351 = arith.constant 0 : i32
      %dma_wait3A_352 = tpu.memref_slice %arg8[%mul3A_2, %dma_wait3A_351] : memref<8192x256xf32, #tpu.memory_space<hbm>> -> memref<256x128xf32, #tpu.memory_space<hbm>>
      %dma_wait3A_353 = arith.constant 0 : i32
      %dma_wait3A_354 = tpu.memref_slice %arg8[%mul3A_2, %dma_wait3A_353] : memref<8192x256xf32, #tpu.memory_space<hbm>> -> memref<256x128xf32, #tpu.memory_space<hbm>>
      tpu.wait_dma2 semaphore(%run_scoped3A : memref<!tpu.dma_semaphore, #tpu.memory_space<semaphore_mem>>) src(%arg12 : memref<256x128xf32, #tpu.memory_space<vmem>>) dst(%dma_wait3A_354 : memref<256x128xf32, #tpu.memory_space<hbm>>)
      tpu.yield
    }) : () -> ()
    "tpu.region"() ({
      %run_scoped3A = tpu.sem_alloc : memref<!tpu.dma_semaphore, #tpu.memory_space<semaphore_mem>>
      %dma_start3A_347 = arith.constant 128 : i32
      %dma_start3A_348 = tpu.memref_slice %arg8[%mul3A_2, %dma_start3A_347] : memref<8192x256xf32, #tpu.memory_space<hbm>> -> memref<256x128xf32, #tpu.memory_space<hbm>>
      %dma_start3A_349 = arith.constant 128 : i32
      %dma_start3A_350 = tpu.memref_slice %arg8[%mul3A_2, %dma_start3A_349] : memref<8192x256xf32, #tpu.memory_space<hbm>> -> memref<256x128xf32, #tpu.memory_space<hbm>>
      tpu.enqueue_dma source(%arg13 : memref<256x128xf32, #tpu.memory_space<vmem>>) target(%dma_start3A_350 : memref<256x128xf32, #tpu.memory_space<hbm>>) target_semaphore(%run_scoped3A : memref<!tpu.dma_semaphore, #tpu.memory_space<semaphore_mem>>)
      %dma_wait3A_351 = arith.constant 128 : i32
      %dma_wait3A_352 = tpu.memref_slice %arg8[%mul3A_2, %dma_wait3A_351] : memref<8192x256xf32, #tpu.memory_space<hbm>> -> memref<256x128xf32, #tpu.memory_space<hbm>>
      %dma_wait3A_353 = arith.constant 128 : i32
      %dma_wait3A_354 = tpu.memref_slice %arg8[%mul3A_2, %dma_wait3A_353] : memref<8192x256xf32, #tpu.memory_space<hbm>> -> memref<256x128xf32, #tpu.memory_space<hbm>>
      tpu.wait_dma2 semaphore(%run_scoped3A : memref<!tpu.dma_semaphore, #tpu.memory_space<semaphore_mem>>) src(%arg13 : memref<256x128xf32, #tpu.memory_space<vmem>>) dst(%dma_wait3A_354 : memref<256x128xf32, #tpu.memory_space<hbm>>)
      tpu.yield
    }) : () -> ()
    %dma_wait3A_133 = arith.constant 0 : i32
    %dma_wait3A_134 = arith.constant 0 : i32
    %dma_wait3A_135 = arith.constant 0 : i32
    %dma_wait3A_136 = tpu.memref_slice %arg14[%dma_wait3A_134, %dma_wait3A_135] : memref<2x128xf32, #tpu.memory_space<vmem>> -> memref<1x128xf32, #tpu.memory_space<vmem>>
    %dma_wait3A_137 = tpu.memref_squeeze %dma_wait3A_136 : memref<1x128xf32, #tpu.memory_space<vmem>> -> memref<128xf32, #tpu.memory_space<vmem>>
    %dma_wait3A_138 = arith.constant 0 : i32
    %dma_wait3A_139 = tpu.memref_slice %arg10[%dma_wait3A_133, %dma_wait3A_138] : memref<2x128xi32, #tpu.memory_space<vmem>> -> memref<1x128xi32, #tpu.memory_space<vmem>>
    %dma_wait3A_140 = tpu.memref_squeeze %dma_wait3A_139 : memref<1x128xi32, #tpu.memory_space<vmem>> -> memref<128xi32, #tpu.memory_space<vmem>>
    %dma_wait3A_141 = arith.constant 0 : i32
    %dma_wait3A_142 = tpu.memref_slice %arg19[%dma_wait3A_141] : memref<100096xf32, #tpu.memory_space<vmem_shared>> -> memref<100096xf32, #tpu.memory_space<vmem_shared>>
    tpu.wait_indirect_dma semaphore(%arg23 : memref<!tpu.dma_semaphore, #tpu.memory_space<semaphore_mem>>) src(%dma_wait3A_142 : memref<100096xf32, #tpu.memory_space<vmem_shared>>) dst(%dma_wait3A_137 : memref<128xf32, #tpu.memory_space<vmem>>)
    %dma_wait3A_143 = arith.constant 1 : i32
    %dma_wait3A_144 = arith.constant 1 : i32
    %dma_wait3A_145 = arith.constant 0 : i32
    %dma_wait3A_146 = tpu.memref_slice %arg14[%dma_wait3A_144, %dma_wait3A_145] : memref<2x128xf32, #tpu.memory_space<vmem>> -> memref<1x128xf32, #tpu.memory_space<vmem>>
    %dma_wait3A_147 = tpu.memref_squeeze %dma_wait3A_146 : memref<1x128xf32, #tpu.memory_space<vmem>> -> memref<128xf32, #tpu.memory_space<vmem>>
    %dma_wait3A_148 = arith.constant 0 : i32
    %dma_wait3A_149 = tpu.memref_slice %arg10[%dma_wait3A_143, %dma_wait3A_148] : memref<2x128xi32, #tpu.memory_space<vmem>> -> memref<1x128xi32, #tpu.memory_space<vmem>>
    %dma_wait3A_150 = tpu.memref_squeeze %dma_wait3A_149 : memref<1x128xi32, #tpu.memory_space<vmem>> -> memref<128xi32, #tpu.memory_space<vmem>>
    %dma_wait3A_151 = arith.constant 0 : i32
    %dma_wait3A_152 = tpu.memref_slice %arg19[%dma_wait3A_151] : memref<100096xf32, #tpu.memory_space<vmem_shared>> -> memref<100096xf32, #tpu.memory_space<vmem_shared>>
    tpu.wait_indirect_dma semaphore(%arg23 : memref<!tpu.dma_semaphore, #tpu.memory_space<semaphore_mem>>) src(%dma_wait3A_152 : memref<100096xf32, #tpu.memory_space<vmem_shared>>) dst(%dma_wait3A_147 : memref<128xf32, #tpu.memory_space<vmem>>)
    %dma_wait3A_153 = arith.constant 0 : i32
    %dma_wait3A_154 = arith.constant 0 : i32
    %dma_wait3A_155 = arith.constant 0 : i32
    %dma_wait3A_156 = tpu.memref_slice %arg15[%dma_wait3A_154, %dma_wait3A_155] : memref<2x128xf32, #tpu.memory_space<vmem>> -> memref<1x128xf32, #tpu.memory_space<vmem>>
    %dma_wait3A_157 = tpu.memref_squeeze %dma_wait3A_156 : memref<1x128xf32, #tpu.memory_space<vmem>> -> memref<128xf32, #tpu.memory_space<vmem>>
    %dma_wait3A_158 = arith.constant 0 : i32
    %dma_wait3A_159 = tpu.memref_slice %arg11[%dma_wait3A_153, %dma_wait3A_158] : memref<2x128xi32, #tpu.memory_space<vmem>> -> memref<1x128xi32, #tpu.memory_space<vmem>>
    %dma_wait3A_160 = tpu.memref_squeeze %dma_wait3A_159 : memref<1x128xi32, #tpu.memory_space<vmem>> -> memref<128xi32, #tpu.memory_space<vmem>>
    %dma_wait3A_161 = arith.constant 0 : i32
    %dma_wait3A_162 = tpu.memref_slice %arg20[%dma_wait3A_161] : memref<100096xf32, #tpu.memory_space<vmem_shared>> -> memref<100096xf32, #tpu.memory_space<vmem_shared>>
    tpu.wait_indirect_dma semaphore(%arg23 : memref<!tpu.dma_semaphore, #tpu.memory_space<semaphore_mem>>) src(%dma_wait3A_162 : memref<100096xf32, #tpu.memory_space<vmem_shared>>) dst(%dma_wait3A_157 : memref<128xf32, #tpu.memory_space<vmem>>)
    %dma_wait3A_163 = arith.constant 1 : i32
    %dma_wait3A_164 = arith.constant 1 : i32
    %dma_wait3A_165 = arith.constant 0 : i32
    %dma_wait3A_166 = tpu.memref_slice %arg15[%dma_wait3A_164, %dma_wait3A_165] : memref<2x128xf32, #tpu.memory_space<vmem>> -> memref<1x128xf32, #tpu.memory_space<vmem>>
    %dma_wait3A_167 = tpu.memref_squeeze %dma_wait3A_166 : memref<1x128xf32, #tpu.memory_space<vmem>> -> memref<128xf32, #tpu.memory_space<vmem>>
    %dma_wait3A_168 = arith.constant 0 : i32
    %dma_wait3A_169 = tpu.memref_slice %arg11[%dma_wait3A_163, %dma_wait3A_168] : memref<2x128xi32, #tpu.memory_space<vmem>> -> memref<1x128xi32, #tpu.memory_space<vmem>>
    %dma_wait3A_170 = tpu.memref_squeeze %dma_wait3A_169 : memref<1x128xi32, #tpu.memory_space<vmem>> -> memref<128xi32, #tpu.memory_space<vmem>>
    %dma_wait3A_171 = arith.constant 0 : i32
    %dma_wait3A_172 = tpu.memref_slice %arg20[%dma_wait3A_171] : memref<100096xf32, #tpu.memory_space<vmem_shared>> -> memref<100096xf32, #tpu.memory_space<vmem_shared>>
    tpu.wait_indirect_dma semaphore(%arg23 : memref<!tpu.dma_semaphore, #tpu.memory_space<semaphore_mem>>) src(%dma_wait3A_172 : memref<100096xf32, #tpu.memory_space<vmem_shared>>) dst(%dma_wait3A_167 : memref<128xf32, #tpu.memory_space<vmem>>)
    %get3A = arith.constant 0 : i32
    %get3A_173 = arith.index_cast %get3A : i32 to index
    %get3A_174 = arith.constant 0 : index
    %get3A_175 = tpu.vector_load %arg14[%get3A_173, %get3A_174] {strides = array<i32>} : memref<2x128xf32, #tpu.memory_space<vmem>>, vector<16xf32>,
    %get3A_176 = arith.constant 0 : i32
    %get3A_177 = arith.index_cast %get3A_176 : i32 to index
    %get3A_178 = arith.constant 0 : index
    %get3A_179 = tpu.vector_load %arg15[%get3A_177, %get3A_178] {strides = array<i32>} : memref<2x128xf32, #tpu.memory_space<vmem>>, vector<16xf32>,
    %add3A_180 = arith.addf %get3A_175, %get3A_179 : vector<16xf32>
    %swap3A = arith.constant 0 : index
    %swap3A_181 = tpu.vector_load %arg16[%swap3A] {strides = array<i32>} : memref<256xf32, #tpu.memory_space<vmem>>, vector<16xf32>,
    tpu.vector_store %arg16[%swap3A], %add3A_180 {strides = array<i32>} : memref<256xf32, #tpu.memory_space<vmem>>, vector<16xf32>,
    %get3A_182 = arith.constant 0 : i32
    %get3A_183 = arith.index_cast %get3A_182 : i32 to index
    %get3A_184 = arith.constant 16 : index
    %get3A_185 = tpu.vector_load %arg14[%get3A_183, %get3A_184] {strides = array<i32>} : memref<2x128xf32, #tpu.memory_space<vmem>>, vector<16xf32>,
    %get3A_186 = arith.constant 0 : i32
    %get3A_187 = arith.index_cast %get3A_186 : i32 to index
    %get3A_188 = arith.constant 16 : index
    %get3A_189 = tpu.vector_load %arg15[%get3A_187, %get3A_188] {strides = array<i32>} : memref<2x128xf32, #tpu.memory_space<vmem>>, vector<16xf32>,
    %add3A_190 = arith.addf %get3A_185, %get3A_189 : vector<16xf32>
    %swap3A_191 = arith.constant 16 : index
    %swap3A_192 = tpu.vector_load %arg16[%swap3A_191] {strides = array<i32>} : memref<256xf32, #tpu.memory_space<vmem>>, vector<16xf32>,
    tpu.vector_store %arg16[%swap3A_191], %add3A_190 {strides = array<i32>} : memref<256xf32, #tpu.memory_space<vmem>>, vector<16xf32>,
    %get3A_193 = arith.constant 0 : i32
    %get3A_194 = arith.index_cast %get3A_193 : i32 to index
    %get3A_195 = arith.constant 32 : index
    %get3A_196 = tpu.vector_load %arg14[%get3A_194, %get3A_195] {strides = array<i32>} : memref<2x128xf32, #tpu.memory_space<vmem>>, vector<16xf32>,
    %get3A_197 = arith.constant 0 : i32
    %get3A_198 = arith.index_cast %get3A_197 : i32 to index
    %get3A_199 = arith.constant 32 : index
    %get3A_200 = tpu.vector_load %arg15[%get3A_198, %get3A_199] {strides = array<i32>} : memref<2x128xf32, #tpu.memory_space<vmem>>, vector<16xf32>,
    %add3A_201 = arith.addf %get3A_196, %get3A_200 : vector<16xf32>
    %swap3A_202 = arith.constant 32 : index
    %swap3A_203 = tpu.vector_load %arg16[%swap3A_202] {strides = array<i32>} : memref<256xf32, #tpu.memory_space<vmem>>, vector<16xf32>,
    tpu.vector_store %arg16[%swap3A_202], %add3A_201 {strides = array<i32>} : memref<256xf32, #tpu.memory_space<vmem>>, vector<16xf32>,
    %get3A_204 = arith.constant 0 : i32
    %get3A_205 = arith.index_cast %get3A_204 : i32 to index
    %get3A_206 = arith.constant 48 : index
    %get3A_207 = tpu.vector_load %arg14[%get3A_205, %get3A_206] {strides = array<i32>} : memref<2x128xf32, #tpu.memory_space<vmem>>, vector<16xf32>,
    %get3A_208 = arith.constant 0 : i32
    %get3A_209 = arith.index_cast %get3A_208 : i32 to index
    %get3A_210 = arith.constant 48 : index
    %get3A_211 = tpu.vector_load %arg15[%get3A_209, %get3A_210] {strides = array<i32>} : memref<2x128xf32, #tpu.memory_space<vmem>>, vector<16xf32>,
    %add3A_212 = arith.addf %get3A_207, %get3A_211 : vector<16xf32>
    %swap3A_213 = arith.constant 48 : index
    %swap3A_214 = tpu.vector_load %arg16[%swap3A_213] {strides = array<i32>} : memref<256xf32, #tpu.memory_space<vmem>>, vector<16xf32>,
    tpu.vector_store %arg16[%swap3A_213], %add3A_212 {strides = array<i32>} : memref<256xf32, #tpu.memory_space<vmem>>, vector<16xf32>,
    %get3A_215 = arith.constant 0 : i32
    %get3A_216 = arith.index_cast %get3A_215 : i32 to index
    %get3A_217 = arith.constant 64 : index
    %get3A_218 = tpu.vector_load %arg14[%get3A_216, %get3A_217] {strides = array<i32>} : memref<2x128xf32, #tpu.memory_space<vmem>>, vector<16xf32>,
    %get3A_219 = arith.constant 0 : i32
    %get3A_220 = arith.index_cast %get3A_219 : i32 to index
    %get3A_221 = arith.constant 64 : index
    %get3A_222 = tpu.vector_load %arg15[%get3A_220, %get3A_221] {strides = array<i32>} : memref<2x128xf32, #tpu.memory_space<vmem>>, vector<16xf32>,
    %add3A_223 = arith.addf %get3A_218, %get3A_222 : vector<16xf32>
    %swap3A_224 = arith.constant 64 : index
    %swap3A_225 = tpu.vector_load %arg16[%swap3A_224] {strides = array<i32>} : memref<256xf32, #tpu.memory_space<vmem>>, vector<16xf32>,
    tpu.vector_store %arg16[%swap3A_224], %add3A_223 {strides = array<i32>} : memref<256xf32, #tpu.memory_space<vmem>>, vector<16xf32>,
    %get3A_226 = arith.constant 0 : i32
    %get3A_227 = arith.index_cast %get3A_226 : i32 to index
    %get3A_228 = arith.constant 80 : index
    %get3A_229 = tpu.vector_load %arg14[%get3A_227, %get3A_228] {strides = array<i32>} : memref<2x128xf32, #tpu.memory_space<vmem>>, vector<16xf32>,
    %get3A_230 = arith.constant 0 : i32
    %get3A_231 = arith.index_cast %get3A_230 : i32 to index
    %get3A_232 = arith.constant 80 : index
    %get3A_233 = tpu.vector_load %arg15[%get3A_231, %get3A_232] {strides = array<i32>} : memref<2x128xf32, #tpu.memory_space<vmem>>, vector<16xf32>,
    %add3A_234 = arith.addf %get3A_229, %get3A_233 : vector<16xf32>
    %swap3A_235 = arith.constant 80 : index
    %swap3A_236 = tpu.vector_load %arg16[%swap3A_235] {strides = array<i32>} : memref<256xf32, #tpu.memory_space<vmem>>, vector<16xf32>,
    tpu.vector_store %arg16[%swap3A_235], %add3A_234 {strides = array<i32>} : memref<256xf32, #tpu.memory_space<vmem>>, vector<16xf32>,
    %get3A_237 = arith.constant 0 : i32
    %get3A_238 = arith.index_cast %get3A_237 : i32 to index
    %get3A_239 = arith.constant 96 : index
    %get3A_240 = tpu.vector_load %arg14[%get3A_238, %get3A_239] {strides = array<i32>} : memref<2x128xf32, #tpu.memory_space<vmem>>, vector<16xf32>,
    %get3A_241 = arith.constant 0 : i32
    %get3A_242 = arith.index_cast %get3A_241 : i32 to index
    %get3A_243 = arith.constant 96 : index
    %get3A_244 = tpu.vector_load %arg15[%get3A_242, %get3A_243] {strides = array<i32>} : memref<2x128xf32, #tpu.memory_space<vmem>>, vector<16xf32>,
    %add3A_245 = arith.addf %get3A_240, %get3A_244 : vector<16xf32>
    %swap3A_246 = arith.constant 96 : index
    %swap3A_247 = tpu.vector_load %arg16[%swap3A_246] {strides = array<i32>} : memref<256xf32, #tpu.memory_space<vmem>>, vector<16xf32>,
    tpu.vector_store %arg16[%swap3A_246], %add3A_245 {strides = array<i32>} : memref<256xf32, #tpu.memory_space<vmem>>, vector<16xf32>,
    %get3A_248 = arith.constant 0 : i32
    %get3A_249 = arith.index_cast %get3A_248 : i32 to index
    %get3A_250 = arith.constant 112 : index
    %get3A_251 = tpu.vector_load %arg14[%get3A_249, %get3A_250] {strides = array<i32>} : memref<2x128xf32, #tpu.memory_space<vmem>>, vector<16xf32>,
    %get3A_252 = arith.constant 0 : i32
    %get3A_253 = arith.index_cast %get3A_252 : i32 to index
    %get3A_254 = arith.constant 112 : index
    %get3A_255 = tpu.vector_load %arg15[%get3A_253, %get3A_254] {strides = array<i32>} : memref<2x128xf32, #tpu.memory_space<vmem>>, vector<16xf32>,
    %add3A_256 = arith.addf %get3A_251, %get3A_255 : vector<16xf32>
    %swap3A_257 = arith.constant 112 : index
    %swap3A_258 = tpu.vector_load %arg16[%swap3A_257] {strides = array<i32>} : memref<256xf32, #tpu.memory_space<vmem>>, vector<16xf32>,
    tpu.vector_store %arg16[%swap3A_257], %add3A_256 {strides = array<i32>} : memref<256xf32, #tpu.memory_space<vmem>>, vector<16xf32>,
    %get3A_259 = arith.constant 1 : i32
    %get3A_260 = arith.index_cast %get3A_259 : i32 to index
    %get3A_261 = arith.constant 0 : index
    %get3A_262 = tpu.vector_load %arg14[%get3A_260, %get3A_261] {strides = array<i32>} : memref<2x128xf32, #tpu.memory_space<vmem>>, vector<16xf32>,
    %get3A_263 = arith.constant 1 : i32
    %get3A_264 = arith.index_cast %get3A_263 : i32 to index
    %get3A_265 = arith.constant 0 : index
    %get3A_266 = tpu.vector_load %arg15[%get3A_264, %get3A_265] {strides = array<i32>} : memref<2x128xf32, #tpu.memory_space<vmem>>, vector<16xf32>,
    %add3A_267 = arith.addf %get3A_262, %get3A_266 : vector<16xf32>
    %swap3A_268 = arith.constant 128 : index
    %swap3A_269 = tpu.vector_load %arg16[%swap3A_268] {strides = array<i32>} : memref<256xf32, #tpu.memory_space<vmem>>, vector<16xf32>,
    tpu.vector_store %arg16[%swap3A_268], %add3A_267 {strides = array<i32>} : memref<256xf32, #tpu.memory_space<vmem>>, vector<16xf32>,
    %get3A_270 = arith.constant 1 : i32
    %get3A_271 = arith.index_cast %get3A_270 : i32 to index
    %get3A_272 = arith.constant 16 : index
    %get3A_273 = tpu.vector_load %arg14[%get3A_271, %get3A_272] {strides = array<i32>} : memref<2x128xf32, #tpu.memory_space<vmem>>, vector<16xf32>,
    %get3A_274 = arith.constant 1 : i32
    %get3A_275 = arith.index_cast %get3A_274 : i32 to index
    %get3A_276 = arith.constant 16 : index
    %get3A_277 = tpu.vector_load %arg15[%get3A_275, %get3A_276] {strides = array<i32>} : memref<2x128xf32, #tpu.memory_space<vmem>>, vector<16xf32>,
    %add3A_278 = arith.addf %get3A_273, %get3A_277 : vector<16xf32>
    %swap3A_279 = arith.constant 144 : index
    %swap3A_280 = tpu.vector_load %arg16[%swap3A_279] {strides = array<i32>} : memref<256xf32, #tpu.memory_space<vmem>>, vector<16xf32>,
    tpu.vector_store %arg16[%swap3A_279], %add3A_278 {strides = array<i32>} : memref<256xf32, #tpu.memory_space<vmem>>, vector<16xf32>,
    %get3A_281 = arith.constant 1 : i32
    %get3A_282 = arith.index_cast %get3A_281 : i32 to index
    %get3A_283 = arith.constant 32 : index
    %get3A_284 = tpu.vector_load %arg14[%get3A_282, %get3A_283] {strides = array<i32>} : memref<2x128xf32, #tpu.memory_space<vmem>>, vector<16xf32>,
    %get3A_285 = arith.constant 1 : i32
    %get3A_286 = arith.index_cast %get3A_285 : i32 to index
    %get3A_287 = arith.constant 32 : index
    %get3A_288 = tpu.vector_load %arg15[%get3A_286, %get3A_287] {strides = array<i32>} : memref<2x128xf32, #tpu.memory_space<vmem>>, vector<16xf32>,
    %add3A_289 = arith.addf %get3A_284, %get3A_288 : vector<16xf32>
    %swap3A_290 = arith.constant 160 : index
    %swap3A_291 = tpu.vector_load %arg16[%swap3A_290] {strides = array<i32>} : memref<256xf32, #tpu.memory_space<vmem>>, vector<16xf32>,
    tpu.vector_store %arg16[%swap3A_290], %add3A_289 {strides = array<i32>} : memref<256xf32, #tpu.memory_space<vmem>>, vector<16xf32>,
    %get3A_292 = arith.constant 1 : i32
    %get3A_293 = arith.index_cast %get3A_292 : i32 to index
    %get3A_294 = arith.constant 48 : index
    %get3A_295 = tpu.vector_load %arg14[%get3A_293, %get3A_294] {strides = array<i32>} : memref<2x128xf32, #tpu.memory_space<vmem>>, vector<16xf32>,
    %get3A_296 = arith.constant 1 : i32
    %get3A_297 = arith.index_cast %get3A_296 : i32 to index
    %get3A_298 = arith.constant 48 : index
    %get3A_299 = tpu.vector_load %arg15[%get3A_297, %get3A_298] {strides = array<i32>} : memref<2x128xf32, #tpu.memory_space<vmem>>, vector<16xf32>,
    %add3A_300 = arith.addf %get3A_295, %get3A_299 : vector<16xf32>
    %swap3A_301 = arith.constant 176 : index
    %swap3A_302 = tpu.vector_load %arg16[%swap3A_301] {strides = array<i32>} : memref<256xf32, #tpu.memory_space<vmem>>, vector<16xf32>,
    tpu.vector_store %arg16[%swap3A_301], %add3A_300 {strides = array<i32>} : memref<256xf32, #tpu.memory_space<vmem>>, vector<16xf32>,
    %get3A_303 = arith.constant 1 : i32
    %get3A_304 = arith.index_cast %get3A_303 : i32 to index
    %get3A_305 = arith.constant 64 : index
    %get3A_306 = tpu.vector_load %arg14[%get3A_304, %get3A_305] {strides = array<i32>} : memref<2x128xf32, #tpu.memory_space<vmem>>, vector<16xf32>,
    %get3A_307 = arith.constant 1 : i32
    %get3A_308 = arith.index_cast %get3A_307 : i32 to index
    %get3A_309 = arith.constant 64 : index
    %get3A_310 = tpu.vector_load %arg15[%get3A_308, %get3A_309] {strides = array<i32>} : memref<2x128xf32, #tpu.memory_space<vmem>>, vector<16xf32>,
    %add3A_311 = arith.addf %get3A_306, %get3A_310 : vector<16xf32>
    %swap3A_312 = arith.constant 192 : index
    %swap3A_313 = tpu.vector_load %arg16[%swap3A_312] {strides = array<i32>} : memref<256xf32, #tpu.memory_space<vmem>>, vector<16xf32>,
    tpu.vector_store %arg16[%swap3A_312], %add3A_311 {strides = array<i32>} : memref<256xf32, #tpu.memory_space<vmem>>, vector<16xf32>,
    %get3A_314 = arith.constant 1 : i32
    %get3A_315 = arith.index_cast %get3A_314 : i32 to index
    %get3A_316 = arith.constant 80 : index
    %get3A_317 = tpu.vector_load %arg14[%get3A_315, %get3A_316] {strides = array<i32>} : memref<2x128xf32, #tpu.memory_space<vmem>>, vector<16xf32>,
    %get3A_318 = arith.constant 1 : i32
    %get3A_319 = arith.index_cast %get3A_318 : i32 to index
    %get3A_320 = arith.constant 80 : index
    %get3A_321 = tpu.vector_load %arg15[%get3A_319, %get3A_320] {strides = array<i32>} : memref<2x128xf32, #tpu.memory_space<vmem>>, vector<16xf32>,
    %add3A_322 = arith.addf %get3A_317, %get3A_321 : vector<16xf32>
    %swap3A_323 = arith.constant 208 : index
    %swap3A_324 = tpu.vector_load %arg16[%swap3A_323] {strides = array<i32>} : memref<256xf32, #tpu.memory_space<vmem>>, vector<16xf32>,
    tpu.vector_store %arg16[%swap3A_323], %add3A_322 {strides = array<i32>} : memref<256xf32, #tpu.memory_space<vmem>>, vector<16xf32>,
    %get3A_325 = arith.constant 1 : i32
    %get3A_326 = arith.index_cast %get3A_325 : i32 to index
    %get3A_327 = arith.constant 96 : index
    %get3A_328 = tpu.vector_load %arg14[%get3A_326, %get3A_327] {strides = array<i32>} : memref<2x128xf32, #tpu.memory_space<vmem>>, vector<16xf32>,
    %get3A_329 = arith.constant 1 : i32
    %get3A_330 = arith.index_cast %get3A_329 : i32 to index
    %get3A_331 = arith.constant 96 : index
    %get3A_332 = tpu.vector_load %arg15[%get3A_330, %get3A_331] {strides = array<i32>} : memref<2x128xf32, #tpu.memory_space<vmem>>, vector<16xf32>,
    %add3A_333 = arith.addf %get3A_328, %get3A_332 : vector<16xf32>
    %swap3A_334 = arith.constant 224 : index
    %swap3A_335 = tpu.vector_load %arg16[%swap3A_334] {strides = array<i32>} : memref<256xf32, #tpu.memory_space<vmem>>, vector<16xf32>,
    tpu.vector_store %arg16[%swap3A_334], %add3A_333 {strides = array<i32>} : memref<256xf32, #tpu.memory_space<vmem>>, vector<16xf32>,
    %get3A_336 = arith.constant 1 : i32
    %get3A_337 = arith.index_cast %get3A_336 : i32 to index
    %get3A_338 = arith.constant 112 : index
    %get3A_339 = tpu.vector_load %arg14[%get3A_337, %get3A_338] {strides = array<i32>} : memref<2x128xf32, #tpu.memory_space<vmem>>, vector<16xf32>,
    %get3A_340 = arith.constant 1 : i32
    %get3A_341 = arith.index_cast %get3A_340 : i32 to index
    %get3A_342 = arith.constant 112 : index
    %get3A_343 = tpu.vector_load %arg15[%get3A_341, %get3A_342] {strides = array<i32>} : memref<2x128xf32, #tpu.memory_space<vmem>>, vector<16xf32>,
    %add3A_344 = arith.addf %get3A_339, %get3A_343 : vector<16xf32>
    %swap3A_345 = arith.constant 240 : index
    %swap3A_346 = tpu.vector_load %arg16[%swap3A_345] {strides = array<i32>} : memref<256xf32, #tpu.memory_space<vmem>>, vector<16xf32>,
    tpu.vector_store %arg16[%swap3A_345], %add3A_344 {strides = array<i32>} : memref<256xf32, #tpu.memory_space<vmem>>, vector<16xf32>,
    "tpu.region"() ({
      %run_scoped3A = tpu.sem_alloc : memref<!tpu.dma_semaphore, #tpu.memory_space<semaphore_mem>>
      %dma_start3A_347 = tpu.memref_slice %arg9[%mul3A_2] : memref<8192xf32, #tpu.memory_space<hbm>> -> memref<256xf32, #tpu.memory_space<hbm>>
      %dma_start3A_348 = tpu.memref_slice %arg9[%mul3A_2] : memref<8192xf32, #tpu.memory_space<hbm>> -> memref<256xf32, #tpu.memory_space<hbm>>
      tpu.enqueue_dma source(%arg16 : memref<256xf32, #tpu.memory_space<vmem>>) target(%dma_start3A_348 : memref<256xf32, #tpu.memory_space<hbm>>) target_semaphore(%run_scoped3A : memref<!tpu.dma_semaphore, #tpu.memory_space<semaphore_mem>>)
      %dma_wait3A_349 = tpu.memref_slice %arg9[%mul3A_2] : memref<8192xf32, #tpu.memory_space<hbm>> -> memref<256xf32, #tpu.memory_space<hbm>>
      %dma_wait3A_350 = tpu.memref_slice %arg9[%mul3A_2] : memref<8192xf32, #tpu.memory_space<hbm>> -> memref<256xf32, #tpu.memory_space<hbm>>
      tpu.wait_dma2 semaphore(%run_scoped3A : memref<!tpu.dma_semaphore, #tpu.memory_space<semaphore_mem>>) src(%arg16 : memref<256xf32, #tpu.memory_space<vmem>>) dst(%dma_wait3A_350 : memref<256xf32, #tpu.memory_space<hbm>>)
      tpu.yield
    }) : () -> ()
    return
  }
}

module attributes {stable_mosaic.version = 14 : i64} {
  func.func @_mlp_body(%arg0: i32, %arg1: memref<4096x256xf32, #tpu.memory_space<vmem>>, %arg2: memref<4096x32xbf16, #tpu.memory_space<vmem>>, %arg3: memref<288x1024xbf16, #tpu.memory_space<vmem>>, %arg4: memref<1x1024xf32, #tpu.memory_space<vmem>>, %arg5: memref<1024x1xbf16, #tpu.memory_space<vmem>>, %arg6: memref<4096xf32, #tpu.memory_space<vmem>>, %arg7: memref<1xf32, #tpu.memory_space<vmem>>, %arg8: memref<4096xf32, #tpu.memory_space<vmem>>) attributes {dimension_semantics = [#tpu.dimension_semantics<arbitrary>], iteration_bounds = array<i64: 2>, scalar_prefetch = 0 : i64, scratch_operands = 0 : i64, tpu.core_type = #tpu.core_type<tc>, window_params = [{transform_indices = @transform_0, window_bounds = array<i64: 4096, 256>}, {transform_indices = @transform_1, window_bounds = array<i64: 4096, 32>}, {pipeline_mode = #tpu.pipeline_mode<synchronous>, transform_indices = @transform_2, window_bounds = array<i64: 288, 1024>}, {pipeline_mode = #tpu.pipeline_mode<synchronous>, transform_indices = @transform_3, window_bounds = array<i64: 1, 1024>}, {pipeline_mode = #tpu.pipeline_mode<synchronous>, transform_indices = @transform_4, window_bounds = array<i64: 1024, 1>}, {transform_indices = @transform_5, window_bounds = array<i64: 4096>}, {pipeline_mode = #tpu.pipeline_mode<synchronous>, transform_indices = @transform_6, window_bounds = array<i64: 1>}, {transform_indices = @transform_7, window_bounds = array<i64: 4096>}]} {
    %get3A = arith.constant 0 : index
    %get3A_0 = arith.constant 0 : index
    %get3A_1 = vector.load %arg1[%get3A, %get3A_0] : memref<4096x256xf32, #tpu.memory_space<vmem>>, vector<4096x256xf32>
    %convert_element_type3A = arith.truncf %get3A_1 : vector<4096x256xf32> to vector<4096x256xbf16>
    %get3A_2 = arith.constant 0 : index
    %get3A_3 = arith.constant 0 : index
    %get3A_4 = vector.load %arg2[%get3A_2, %get3A_3] : memref<4096x32xbf16, #tpu.memory_space<vmem>>, vector<4096x32xbf16>
    %concatenate3A = tpu.concatenate %convert_element_type3A, %get3A_4 in 1 : vector<4096x256xbf16>, vector<4096x32xbf16> -> vector<4096x288xbf16>
    %get3A_5 = arith.constant 0 : index
    %get3A_6 = arith.constant 0 : index
    %get3A_7 = vector.load %arg3[%get3A_5, %get3A_6] : memref<288x1024xbf16, #tpu.memory_space<vmem>>, vector<288x1024xbf16>
    %dot_general3A = arith.constant dense<0.000000e+00> : vector<4096x1024xf32>
    %dot_general3A_8 = tpu.matmul %concatenate3A, %get3A_7, %dot_general3A {dimension_numbers = #tpu.dot_dimension_numbers<[1], [0], [0], [1], [0, 0, 1, 1], [], []>, transpose_lhs_hint = false} : vector<4096x288xbf16>, vector<288x1024xbf16>, vector<4096x1024xf32> -> vector<4096x1024xf32>
    %get3A_9 = arith.constant 0 : index
    %get3A_10 = arith.constant 0 : index
    %get3A_11 = vector.load %arg4[%get3A_9, %get3A_10] : memref<1x1024xf32, #tpu.memory_space<vmem>>, vector<1x1024xf32>
    %add3A = vector.broadcast %get3A_11 : vector<1x1024xf32> to vector<4096x1024xf32>
    %add3A_12 = arith.addf %dot_general3A_8, %add3A : vector<4096x1024xf32>
    %max3A = arith.constant 0.000000e+00 : f32
    %max3A_13 = vector.broadcast %max3A : f32 to vector<4096x1024xf32>
    %max3A_14 = arith.maximumf %add3A_12, %max3A_13 : vector<4096x1024xf32>
    %convert_element_type3A_15 = arith.truncf %max3A_14 : vector<4096x1024xf32> to vector<4096x1024xbf16>
    %get3A_16 = arith.constant 0 : index
    %get3A_17 = arith.constant 0 : index
    %get3A_18 = vector.load %arg5[%get3A_16, %get3A_17] : memref<1024x1xbf16, #tpu.memory_space<vmem>>, vector<1024x1xbf16>
    %dot_general3A_19 = arith.constant dense<0.000000e+00> : vector<4096x1xf32>
    %dot_general3A_20 = tpu.matmul %convert_element_type3A_15, %get3A_18, %dot_general3A_19 {dimension_numbers = #tpu.dot_dimension_numbers<[1], [0], [0], [1], [0, 0, 1, 1], [], []>, transpose_lhs_hint = false} : vector<4096x1024xbf16>, vector<1024x1xbf16>, vector<4096x1xf32> -> vector<4096x1xf32>
    %reshape3A = vector.shape_cast %dot_general3A_20 : vector<4096x1xf32> to vector<4096xf32>
    %get3A_21 = arith.constant 0 : index
    %get3A_22 = vector.load %arg6[%get3A_21] : memref<4096xf32, #tpu.memory_space<vmem>>, vector<4096xf32>
    %add3A_23 = arith.addf %reshape3A, %get3A_22 : vector<4096xf32>
    %get3A_24 = arith.constant 0 : index
    %get3A_25 = vector.load %arg7[%get3A_24] : memref<1xf32, #tpu.memory_space<vmem>>, vector<1xf32>
    %get3A_26 = vector.extract %get3A_25[0] : f32 from vector<1xf32>
    %add3A_27 = vector.broadcast %get3A_26 : f32 to vector<4096xf32>
    %add3A_28 = arith.addf %add3A_23, %add3A_27 : vector<4096xf32>
    %swap3A = arith.constant 0 : index
    %swap3A_29 = vector.load %arg8[%swap3A] : memref<4096xf32, #tpu.memory_space<vmem>>, vector<4096xf32>
    tpu.vector_store %arg8[%swap3A], %add3A_28 {strides = array<i32>} : memref<4096xf32, #tpu.memory_space<vmem>>, vector<4096xf32>,
    return
  }
  func.func @transform_0(%arg0: i32) -> (i32, i32) {
    %c0_i32 = arith.constant 0 : i32
    %c0_i32_0 = arith.constant 0 : i32
    return %arg0, %c0_i32 : i32, i32
  }
  func.func @transform_1(%arg0: i32) -> (i32, i32) {
    %c0_i32 = arith.constant 0 : i32
    %c0_i32_0 = arith.constant 0 : i32
    return %arg0, %c0_i32 : i32, i32
  }
  func.func @transform_2(%arg0: i32) -> (i32, i32) {
    %c0_i32 = arith.constant 0 : i32
    %c0_i32_0 = arith.constant 0 : i32
    %c0_i32_1 = arith.constant 0 : i32
    return %c0_i32, %c0_i32_0 : i32, i32
  }
  func.func @transform_3(%arg0: i32) -> (i32, i32) {
    %c0_i32 = arith.constant 0 : i32
    %c0_i32_0 = arith.constant 0 : i32
    %c0_i32_1 = arith.constant 0 : i32
    return %c0_i32, %c0_i32_0 : i32, i32
  }
  func.func @transform_4(%arg0: i32) -> (i32, i32) {
    %c0_i32 = arith.constant 0 : i32
    %c0_i32_0 = arith.constant 0 : i32
    %c0_i32_1 = arith.constant 0 : i32
    return %c0_i32, %c0_i32_0 : i32, i32
  }
  func.func @transform_5(%arg0: i32) -> i32 {
    %c0_i32 = arith.constant 0 : i32
    return %arg0 : i32
  }
  func.func @transform_6(%arg0: i32) -> i32 {
    %c0_i32 = arith.constant 0 : i32
    %c0_i32_0 = arith.constant 0 : i32
    return %c0_i32 : i32
  }
  func.func @transform_7(%arg0: i32) -> i32 {
    %c0_i32 = arith.constant 0 : i32
    return %arg0 : i32
  }
}

</mosaic_0001>

<sc_bundles>
// kernel: kernel.6.cloned.1.call-start
scs
__scs_entry_jumppad:
0x0: {  	(pc) =	sbr.rel $0x88, $3  }
0x1: {  	(tag) =	ssettag $0x0;
	lr =	simm.s32 $0x1  }
0x2: {  	[smem:$0x3F95] =	sst lr;
	_ =	strace $0xD0000000  }
0x3: {  	_ = 	snop  }
0x4: {  	_ = 	snop  }
0x5: {  	_ = 	snop  }
0x6: {  	_ = 	snop  }
0x7: {  	_ = 	snop  }
__scs_overlays_trampoline_lowered:
0x8: {  	[smem:$0x3FA4] =	sst s0  }
0x9: {  	[smem:$0x3FA5] =	sst s1  }
0xa: {  	[smem:$0x3FA6] =	sst s2  }
0xb: {  	[smem:$0x3FA7] =	sst s3  }
0xc: {  	[smem:$0x3FA8] =	sst s4  }
0xd: {  	[smem:$0x3FA9] =	sst s5  }
0xe: {  	[smem:$0x3FAA] =	sst s6  }
0xf: {  	[smem:$0x3FAB] =	sst s7  }
0x10: {  	[smem:$0x3FAC] =	sst s8  }
0x11: {  	[smem:$0x3FAD] =	sst s9;
	s0 =	simm.s32 @!p0 $0x0  }
0x12: {  	s1 =	sld [smem:$0x3F93];
	s0 =	simm.s32 @p0 $0x1  }
0x13: {  	[smem:$0x3FAE] =	sst s0;
	s0 =	simm.s32 @!p1 $0x0  }
0x14: {  	s2 =	sld [smem:$0x3F92];
	s0 =	simm.s32 @p1 $0x1  }
0x15: {  	[smem:$0x3FAF] =	sst s0;
	s0 =	simm.s32 @!p2 $0x0  }
0x16: {  	s3 =	sld [smem:$0x3FDB];
	s0 =	simm.s32 @p2 $0x1  }
0x17: {  	s4 =	simm.s32 $0x1BF5;
	[smem:$0x3FB1] =	sst s0  }
0x18: {  	s0 =	sld [smem:$0x3F94];
	_ =	swait.ge [sflag:s4], $0x0  }
0x19: {  	s7 =	sld [smem:$0x3F95]  }
0x1a: {  	s8 =	sadd.s32 $0xFFFFE003, lr  }
0x1b: {  	s9 =	sadd.s32 $0xFFFFFEF7, lr;
	s5 =	simm.s32 $0xFFFFFFFF;
	p2 =	slt.u32 s8, $0xFFFFF086  }
0x1c: {  	p1 =	slt.u32 s9, $0xF7A;
	s5 =	simm.s32 @!p2 $0x0  }
0x1d: {  	s5 =	simm.s32 @p1 $0x1;
	p0 =	seq.s32 s7, s2  }
0x1e: {  	s7 =	smul.u32 @!p0 $0xF7A, s2;
	p2 =	seq.s32 @!p0 s5, $0x0  }
0x1f: {  	s9 =	smul.u32 $0xF7A, s1;
	s8 =	simm.s32 @!p0 $0x1BF5;
	p2 =	por !p2, p0  }
0x20: {  	[sflag:s8] =	ssyncset.s32 @!p0 $0xFFFFF086;
	s6 =	sadd.s32 @!p0 s3, s7;
	s7 =	simm.s32 @!p0 $0x108  }
0x21: {  	s3 =	sadd.s32 s3, s9;
	s6 =	sadd.s32 @!p0 $0x88, s6;
	s7 =	simm.s32 @p2 $0x1082  }
0x22: {  	[simem:s7], [sflag:s8] =	dma.local @!p0 [hbm:s6], $0xF7A  }
0x23: {  	s9 =	sor.u32 $0xD0000000, s2;
	s6 =	simm.s32 $0x108;
	_ =	swait.ge @!p0 [sflag:s8], $0x0  }
0x24: {  	s3 =	sadd.s32 $0x88, s3;
	s6 =	simm.s32 @!p1 $0x1082;
	[sflag:s4] =	ssyncset.s32 $0xFFFFF086  }
0x25: {  	[simem:s6], [sflag:s4] =	dma.local [hbm:s3], $0xF7A  }
0x26: {  	[smem:$0x3F95] =	sst s1;
	(tag) =	ssettag s2;
	_ =	strace s9  }
0x27: {  	s1 =	sld [smem:$0x3FA5]  }
0x28: {  	s2 =	sld [smem:$0x3FA6]  }
0x29: {  	s4 =	sld [smem:$0x3FA8]  }
0x2a: {  	p0 =	seq.s32 s5, $0x0;
	s5 =	sld [smem:$0x3FA9]  }
0x2b: {  	s6 =	sld [smem:$0x3FAA]  }
0x2c: {  	s7 =	sld [smem:$0x3FAB]  }
0x2d: {  	s3 =	simm.s32 $0x108;
	s8 =	sld [smem:$0x3FAC]  }
0x2e: {  	s3 =	simm.s32 @!p0 $0x1082;
	s9 =	sld [smem:$0x3FAD]  }
0x2f: {  	lr =	sadd.s32 s0, s3;
	s0 =	sld [smem:$0x3FA4]  }
0x30: {  	s3 =	sld [smem:$0x3FA7]  }
0x31: {  	[smem:$0x3FB0] =	sst s10  }
0x32: {  	s10 =	sld [smem:$0x3FAE];
	_ =	sdelay $0x3  }
0x33: {  	p0 =	seq.s32 s10, $0x1;
	s10 =	sld [smem:$0x3FB0];
	_ =	sdelay $0x3  }
0x34: {  	[smem:$0x3FB0] =	sst s10  }
0x35: {  	s10 =	sld [smem:$0x3FAF];
	_ =	sdelay $0x3  }
0x36: {  	p1 =	seq.s32 s10, $0x1;
	s10 =	sld [smem:$0x3FB0];
	_ =	sdelay $0x3  }
0x37: {  	[smem:$0x3FB0] =	sst s10  }
0x38: {  	s10 =	sld [smem:$0x3FB1]  }
0x39: {  	_ = 	snop;
	(pc) =	sbr.ind lr, $3  }
0x3a: {  	_ = 	snop  }
0x3b: {  	_ = 	snop  }
0x3c: {  	p2 =	seq.s32 s10, $0x1;
	s10 =	sld [smem:$0x3FB0]  }
0x3d: {  	_ =	shalt  }
0x3e: {  	_ =	shalt  }
0x3f: {  	_ =	shalt  }
0x40: {  	_ =	shalt  }
0x41: {  	_ =	shalt  }
0x42: {  	_ =	shalt  }
0x43: {  	_ =	shalt  }
0x44: {  	_ =	shalt  }
0x45: {  	_ =	shalt  }
0x46: {  	_ =	shalt  }
0x47: {  	_ =	shalt  }
0x48: {  	_ =	shalt  }
0x49: {  	_ =	shalt  }
0x4a: {  	_ =	shalt  }
0x4b: {  	_ =	shalt  }
0x4c: {  	_ =	shalt  }
0x4d: {  	_ =	shalt  }
0x4e: {  	_ =	shalt  }
0x4f: {  	_ =	shalt  }
0x50: {  	_ =	shalt  }
0x51: {  	_ =	shalt  }
0x52: {  	_ =	shalt  }
0x53: {  	_ =	shalt  }
0x54: {  	_ =	shalt  }
0x55: {  	_ =	shalt  }
0x56: {  	_ =	shalt  }
0x57: {  	_ =	shalt  }
0x58: {  	_ =	shalt  }
0x59: {  	_ =	shalt  }
0x5a: {  	_ =	shalt  }
0x5b: {  	_ =	shalt  }
0x5c: {  	_ =	shalt  }
0x5d: {  	_ =	shalt  }
0x5e: {  	_ =	shalt  }
0x5f: {  	_ =	shalt  }
0x60: {  	_ =	shalt  }
0x61: {  	_ =	shalt  }
0x62: {  	_ =	shalt  }
0x63: {  	_ =	shalt  }
0x64: {  	_ =	shalt  }
0x65: {  	_ =	shalt  }
0x66: {  	_ =	shalt  }
0x67: {  	_ =	shalt  }
0x68: {  	_ =	shalt  }
0x69: {  	_ =	shalt  }
0x6a: {  	_ =	shalt  }
0x6b: {  	_ =	shalt  }
0x6c: {  	_ =	shalt  }
0x6d: {  	_ =	shalt  }
0x6e: {  	_ =	shalt  }
0x6f: {  	_ =	shalt  }
0x70: {  	_ =	shalt  }
0x71: {  	_ =	shalt  }
0x72: {  	_ =	shalt  }
0x73: {  	_ =	shalt  }
0x74: {  	_ =	shalt  }
0x75: {  	_ =	shalt  }
0x76: {  	_ =	shalt  }
0x77: {  	_ =	shalt  }
0x78: {  	_ =	shalt  }
0x79: {  	_ =	shalt  }
0x7a: {  	_ =	shalt  }
0x7b: {  	_ =	shalt  }
0x7c: {  	_ =	shalt  }
0x7d: {  	_ =	shalt  }
0x7e: {  	_ =	shalt  }
0x7f: {  	_ =	shalt  }
0x80: {  	_ =	shalt  }
0x81: {  	_ =	shalt  }
0x82: {  	_ =	shalt  }
0x83: {  	_ =	shalt  }
0x84: {  	_ =	shalt  }
0x85: {  	_ =	shalt  }
0x86: {  	_ =	shalt  }
0x87: {  	_ =	shalt  }
.Lfunc_end0:
.L_simem_size_0:
called_computation_lowered:
.L_overlay_start_0:
0x88: {  	s2 =	sld [smem:$0x3FD9]  }
0x89: {  	s3 =	sld [smem:$0x3FFE];
	_ =	sdelay $0x1  }
0x8a: {  	s1 =	srdreg.scid  }
0x8b: {  	s0 =	sand.u32 $0x1, s1  }
0x8c: {  	s17 =	sshll.u32 s0, $0xA;
	s2 =	sadd.s32 s3, s2  }
0x8d: {  	s2 =	sadd.s32 s2, s17  }
0x8e: {  	[smem:$0x3FBC] =	sst s2  }
0x8f: {  	_ = 	snop  }
0x90: {  	s18 =	sld [smem:$0x3FC6]  }
0x91: {  	s4 =	sld [smem:$0x3FC5];
	(tm) =	ssettm $0x1  }
0x92: {  	s19 =	sld [smem:$0x3FFB];
	_ =	sdelay $0x3  }
0x93: {  	_ =	strace s19  }
0x94: {  	s2 =	sld [smem:$0x3FFC];
	_ =	sdelay $0x3  }
0x95: {  	_ =	strace s2  }
0x96: {  	s2 =	sld [smem:$0x3FFD];
	_ =	sdelay $0x3  }
0x97: {  	_ =	strace s2  }
0x98: {  	_ =	strace $0x8FFFFFFF  }
0x99: {  	s20 =	sld [smem:$0x3FDB];
	_ =	sdelay $0x1  }
0x9a: {  	s5 =	simm.s32 $_scs_section_size  }
0x9b: {  	s6 =	simm.s32 $_size__tile_overlayer_lowered;
	s7 =	simm.s32 $_tile_overlayer_lowered  }
0x9c: {  	s8 =	simm.s32 $0x1BFF;
	s21 =	sshll.u32 s7, $0x1;
	s5 =	sadd.s32 s5, s20  }
0x9d: {  	s22 =	simm.s32 $0x0;
	s6 =	sshll.u32 s6, $0x1;
	s7 =	sadd.s32 s21, s5  }
0x9e: {  	[timem:s22], [sflag:s8] =	dma.local [hbm:s7], s6  }
0x9f: {  	_ =	swait.ge [sflag:s8], s6  }
0xa0: {  	s6 =	ssub.s32 $0x0, s6;
	[sflag:s8] =	ssyncset.done $0x0  }
0xa1: {  	[sflag:s8] =	ssyncadd.s32 s6;
	_ =	sdelay $0x1  }
0xa2: {  	s23 =	simm.s32 $0x1B8B  }
0xa3: {  	_ =	swait.ge [sflag:s23], $0x1  }
0xa4: {  	[sflag:s23] =	ssyncset.done $0x0  }
0xa5: {  	[sflag:s23] =	ssyncadd.s32 $0xFFFFFFFF  }
0xa6: {  	s6 =	sld [smem:$0x0]  }
0xa7: {  	s7 =	sand.u32 $0xFFFFFFFE, s1  }
0xa8: {  	p0 =	sne.s32 s1, s7  }
0xa9: {  	s7 =	sshll.u32 @p0 s7, $0xE  }
0xaa: {  	s7 =	sadd.s32 @p0 $0x11B8D, s7;
	s8 =	sshll.u32 @p0 s6, $0x11  }
0xab: {  	s7 =	sor.u32 @p0 s8, s7  }
0xac: {  	[sflag:s7] =	ssyncadd.remote.s32 @p0 $0x1;
	_ =	sdelay $0x1  }
0xad: {  	s7 =	simm.s32 @p0 $0x1B8D  }
0xae: {  	_ =	swait.eq @p0 [sflag:s7], $0x1  }
0xaf: {  	[sflag:s7] =	ssyncadd.s32 @p0 $0xFFFFFFFF  }
0xb0: {  	s8 =	sshll.u32 @!p0 s1, $0xE  }
0xb1: {  	s8 =	sor.u32 @!p0 $0x4000, s8;
	s7 =	simm.s32 @!p0 $0x1B8D  }
0xb2: {  	s6 =	sshll.u32 @!p0 s6, $0x11;
	s8 =	sadd.s32 @!p0 $0x11B8D, s8;
	_ =	swait.eq @!p0 [sflag:s7], $0x1  }
0xb3: {  	s6 =	sor.u32 @!p0 s6, s8;
	[sflag:s7] =	ssyncadd.s32 @!p0 $0xFFFFFFFF  }
0xb4: {  	s25 =	simm.s32 $0x1B8E;
	s24 =	sld [smem:$0x3FFE];
	[sflag:s6] =	ssyncadd.remote.s32 @!p0 $0x1  }
0xb5: {  	s26 =	simm.s32 $execute0_lowered;
	[smem:$0x3FD2] =	sst s25  }
0xb6: {  	s7 =	sshll.u32 s26, $0x1;
	_ =	strace $0x80000049;
	[dreg:$0x1] =	wrdreg $0xFFFFFFFF  }
0xb7: {  	s28 =	simm.s32 $_size_execute0_lowered;
	s5 =	sadd.s32 s5, s7;
	[dreg:$0x0] =	wrdreg $0x0  }
0xb8: {  	s7 =	sshll.u32 s28, $0x1;
	[dreg:$0x2] =	wrdreg s5  }
0xb9: {  	[dreg:$0x3] =	wrdreg s7  }
0xba: {  	[dreg:$0x4] =	wrdreg $0xC0  }
0xbb: {  	_ =	task [dreg:s22], $0x5FFFF  }
0xbc: {  	[dreg:$0x1] =	wrdreg $0xFFFFFFFF  }
0xbd: {  	[dreg:$0x0] =	wrdreg $0x60  }
0xbe: {  	[dreg:$0x2] =	wrdreg s18  }
0xbf: {  	[dreg:$0x3] =	wrdreg s4  }
0xc0: {  	[dreg:$0x4] =	wrdreg s24  }
0xc1: {  	[dreg:$0x5] =	wrdreg $0x136000  }
0xc2: {  	[dreg:$0x6] =	wrdreg $0x14E700  }
0xc3: {  	[dreg:$0x7] =	wrdreg $0x9  }
0xc4: {  	_ =	task.clear_ibuf [dreg:s22], $0x8FFFF;
	_ =	strace $0x90000049  }
0xc5: {  	s29 =	simm.s32 $0x9;
	_ =	strace $0x8000004B  }
0xc6: {  	_ =	swait.ge [sflag:s29], $0x1  }
0xc7: {  	[sflag:s29] =	ssyncadd.s32 $0xFFFFFFFF  }
0xc8: {  	_ =	strace $0x9000004B  }
0xc9: {  	_ =	sfence  }
0xca: {  	s30 =	sld [smem:$0x0];
	_ =	sdelay $0x2  }
0xcb: {  	s31 =	sshll.u32 s1, $0xD;
	s1 =	sshrl.u32 s1, $0x2  }
0xcc: {  	s4 =	sand.u32 $0x4000, s31;
	s1 =	sadd.s32 s1, s30  }
0xcd: {  	s0 =	sor.u32 s4, s0;
	s1 =	sshll.u32 s1, $0x11  }
0xce: {  	s0 =	sor.u32 s1, s0  }
0xcf: {  	s0 =	sadd.s32 $0x8F2B, s0  }
0xd0: {  	[sflag:s0] =	ssyncadd.remote.s32 $0x1  }
0xd1: {  	_ =	sfence.sel $0xFFFF  }
0xd2: {  	[dreg:$0x0] =	wrdreg $0xFFFFFFFF;
	(pc) =	sbr.abs _section_cstart, $3  }
0xd3: {  	[dreg:$0x1] =	wrdreg $0xFFFFFFFF  }
0xd4: {  	_ =	task.clear_ibuf [dreg:s22], $0x2FFFF;
	_ =	strace $0x9FFFFFFF  }
0xd5: {  	(tm) =	ssettm $0x7FFFFFFF  }
tec
execute0_lowered:
.L_overlay_start_1:
0x0: {  	(tag) =	ssettag $0x1  }
0x1: {  	s4 =	rddreg [dreg:$0x0]  }
0x2: {  	s5 =	rddreg [dreg:$0x1]  }
0x3: {  	s20 =	rddreg [dreg:$0x2]  }
0x4: {  	s6 =	rddreg [dreg:$0x3]  }
0x5: {  	s0 =	stileid.u32;
	s1 =	srdreg.scid  }
0x6: {  	s7 =	rddreg [dreg:$0x4];
	s18 =	sand.u32 $0x1, s1;
	s19 =	sshll.u32 s0, $0x1  }
0x7: {  	s2 =	simm.s32 $0x0;
	s17 =	smul.u32 $0x1870, s0;
	s26 =	sor.u32 s18, s19  }
0x8: {  	[smem:$0x7FF] =	sst s2;
	s1 =	sshll.u32 s26, $0x5  }
0x9: {  	_ =	strace $0x8000004A;
	s24 =	sadd.s32 s17, s6;
	s1 =	sadd.s32 s1, s20  }
0xa: {  	s3 =	sshrl.u32 s17, $0x3;
	[dreg:$0xa] =	wrdreg s24;
	s8 =	sadd.s32 $0x48E00, s1  }
0xb: {  	s3 =	sadd.s32 s3, s20;
	s21 =	sadd.s32 $0x48A00, s1;
	[dreg:$0x6] =	wrdreg s8  }
0xc: {  	s22 =	sadd.s32 $0x2200, s3;
	[dreg:$0x7] =	wrdreg s21  }
0xd: {  	s3 =	sadd.s32 $0x5400, s3;
	[dreg:$0x8] =	wrdreg s22  }
0xe: {  	[dreg:$0x9] =	wrdreg s3  }
0xf: {  	s3 =	simm.s32 $0x4;
	s23 =	rddreg [dreg:$0x6]  }
0x10: {  	[tilespmem:s2], [sflag:$0x4] =	stream.linear.gather [hbm4b:s23+s2], $0x100, $0x38;
	[tilespmem:$0x166E0] =	vst v63  }
0x11: {  	_ =	swait.ge [sflag:s3], $0x100  }
0x12: {  	[sflag:s3] =	ssyncset.done $0x0  }
0x13: {  	s8 =	simm.s32 $0x100;
	s9 =	rddreg [dreg:$0x7];
	[sflag:s3] =	ssyncadd.s32 $0xFFFFFF00  }
0x14: {  	[tilespmem:s8], [sflag:$0x4] =	stream.linear.gather [hbm4b:s9+s2], $0x100, $0x38;
	[tilespmem:$0x166E0] =	vst v63  }
0x15: {  	_ =	swait.ge [sflag:s3], $0x100  }
0x16: {  	[sflag:s3] =	ssyncset.done $0x0  }
0x17: {  	s10 =	simm.s32 $0x200;
	s9 =	simm.s32 $0x80;
	[sflag:s3] =	ssyncadd.s32 $0xFFFFFF00  }
0x18: {  	[tilespmem:s10], [sflag:$0x1] =	stream.indirect.gather [hbm4b:s4+s9], $0x80, s2, s9, $0xb8;
	[tilespmem:$0x166E0] =	vst v63  }
0x19: {  	s11 =	simm.s32 $0x4200  }
0x1a: {  	[tilespmem:s11], [sflag:$0x1] =	stream.indirect.gather [hbm4b:s4+s9], $0x80, s9, s9, $0xb8;
	[tilespmem:$0x166E0] =	vst v63  }
0x1b: {  	s12 =	simm.s32 $0x8200  }
0x1c: {  	[tilespmem:s12], [sflag:$0x1] =	stream.indirect.gather [hbm4b:s5+s9], $0x80, s8, s9, $0xb8;
	[tilespmem:$0x166E0] =	vst v63  }
0x1d: {  	s13 =	simm.s32 $0x180;
	s14 =	simm.s32 $0xC200  }
0x1e: {  	[tilespmem:s14], [sflag:$0x1] =	stream.indirect.gather [hbm4b:s5+s9], $0x80, s13, s9, $0xb8;
	[tilespmem:$0x166E0] =	vst v63  }
0x1f: {  	s15 =	simm.s32 $0x10500;
	s16 =	rddreg [dreg:$0x8]  }
0x20: {  	[tilespmem:s15], [sflag:$0x4] =	stream.linear.gather [hbm4b:s16+s2], $0x1870, $0x38;
	[tilespmem:$0x166E0] =	vst v63  }
0x21: {  	_ =	swait.ge [sflag:s3], $0x1870  }
0x22: {  	[sflag:s3] =	ssyncset.done $0x0  }
0x23: {  	s16 =	simm.s32 $0x11D80;
	s19 =	rddreg [dreg:$0x9];
	[sflag:s3] =	ssyncadd.s32 $0xFFFFE790  }
0x24: {  	[tilespmem:s16], [sflag:$0x4] =	stream.linear.gather [hbm4b:s19+s2], $0x1870, $0x38;
	[tilespmem:$0x166E0] =	vst v63  }
0x25: {  	_ =	swait.ge [sflag:s3], $0x1870  }
0x26: {  	[sflag:s3] =	ssyncset.done $0x0  }
0x27: {  	s25 =	rddreg [dreg:$0xa];
	[sflag:s3] =	ssyncadd.s32 $0xFFFFE790  }
0x28: {  	[spmem:s25] =	stream.linear.scatter [tilespmem:s15], [sflag:$0x2], $0x1870, $0x38;
	[tilespmem:$0x166E0] =	vst v63  }
0x29: {  	s17 =	sadd.s32 s17, s7;
	s19 =	simm.s32 $0x2  }
0x2a: {  	[spmem:s17] =	stream.linear.scatter [tilespmem:s16], [sflag:$0x2], $0x1870, $0x38;
	[tilespmem:$0x166E0] =	vst v63  }
0x2b: {  	_ =	swait.ge [sflag:s19], $0x1870  }
0x2c: {  	[sflag:s19] =	ssyncset.done $0x0  }
0x2d: {  	[sflag:s19] =	ssyncadd.s32 $0xFFFFE790  }
0x2e: {  	_ =	swait.ge [sflag:s19], $0x1870  }
0x2f: {  	[sflag:s19] =	ssyncset.done $0x0  }
0x30: {  	[sflag:s19] =	ssyncadd.s32 $0xFFFFE790  }
0x31: {  	s21 =	simm.s32 $0x10200;
	[bflag:$0x0] =	sbarrier.arrive $0xFFFF  }
0x32: {  	[tilespmem:s21], [sflag:$0x3] =	stream.indirect.gather [spmem:s6], $0x1, s2, s9, $0xb8;
	[tilespmem:$0x166E0] =	vst v63  }
0x33: {  	s22 =	simm.s32 $0x10280  }
0x34: {  	[tilespmem:s22], [sflag:$0x3] =	stream.indirect.gather [spmem:s6], $0x1, s9, s9, $0xb8;
	[tilespmem:$0x166E0] =	vst v63  }
0x35: {  	s23 =	simm.s32 $0x10300  }
0x36: {  	[tilespmem:s23], [sflag:$0x3] =	stream.indirect.gather [spmem:s7], $0x1, s8, s9, $0xb8;
	[tilespmem:$0x166E0] =	vst v63  }
0x37: {  	s24 =	simm.s32 $0x10380;
	s25 =	simm.s32 $0x1  }
0x38: {  	[tilespmem:s24], [sflag:$0x3] =	stream.indirect.gather [spmem:s7], $0x1, s13, s9, $0xb8;
	[tilespmem:$0x166E0] =	vst v63  }
0x39: {  	_ =	swait.ge [sflag:s25], $0x4000  }
0x3a: {  	[sflag:s25] =	ssyncset.done $0x0  }
0x3b: {  	[sflag:s25] =	ssyncadd.s32 $0xFFFFC000  }
0x3c: {  	_ =	swait.ge [sflag:s25], $0x4000  }
0x3d: {  	[sflag:s25] =	ssyncset.done $0x0  }
0x3e: {  	[sflag:s25] =	ssyncadd.s32 $0xFFFFC000  }
0x3f: {  	_ =	swait.ge [sflag:s25], $0x4000  }
0x40: {  	[sflag:s25] =	ssyncset.done $0x0  }
0x41: {  	[sflag:s25] =	ssyncadd.s32 $0xFFFFC000  }
0x42: {  	s26 =	sshll.u32 s26, $0xD;
	_ =	swait.ge [sflag:s25], $0x4000  }
0x43: {  	s28 =	simm.s32 $0x400;
	s20 =	sadd.s32 s26, s20;
	[sflag:s25] =	ssyncset.done $0x0  }
0x44: {  	s29 =	simm.s32 $0x800;
	s26 =	sadd.s32 $0x49200, s20;
	[sflag:s25] =	ssyncadd.s32 $0xFFFFC000  }
0x45: {  	[hbm4b:s26+s28] =	stream.strided.scatter [tilespmem:s10], [sflag:$0x4], $0x8000, s29, s28, $0x38;
	[tilespmem:$0x166E0] =	vst v63  }
0x46: {  	_ =	swait.ge [sflag:s3], $0x8000  }
0x47: {  	[sflag:s3] =	ssyncset.done $0x0  }
0x48: {  	s30 =	sadd.s32 $0x49280, s20;
	[sflag:s3] =	ssyncadd.s32 $0xFFFF8000  }
0x49: {  	[hbm4b:s30+s28] =	stream.strided.scatter [tilespmem:s12], [sflag:$0x4], $0x8000, s29, s28, $0x38;
	[tilespmem:$0x166E0] =	vst v63  }
0x4a: {  	_ =	swait.ge [sflag:s3], $0x8000  }
0x4b: {  	[sflag:s3] =	ssyncset.done $0x0  }
0x4c: {  	s31 =	simm.s32 $0x3;
	[sflag:s3] =	ssyncadd.s32 $0xFFFF8000  }
0x4d: {  	_ =	swait.ge [sflag:s31], $0x80  }
0x4e: {  	[sflag:s31] =	ssyncset.done $0x0  }
0x4f: {  	[sflag:s31] =	ssyncadd.s32 $0xFFFFFF80  }
0x50: {  	_ =	swait.ge [sflag:s31], $0x80  }
0x51: {  	s18 =	ssub.s32 $0x2, s18;
	[sflag:s31] =	ssyncset.done $0x0  }
0x52: {  	s0 =	sshrl.u32 s18, $0x1;
	[sflag:s31] =	ssyncadd.s32 $0xFFFFFF80  }
0x53: {  	s18 =	ssub.s32 s18, s0;
	_ =	swait.ge [sflag:s31], $0x80  }
0x54: {  	s20 =	smax.u32 s18, $0x1;
	[sflag:s31] =	ssyncset.done $0x0  }
0x55: {  	p0 =	sne.s32 s20, $0x1;
	[sflag:s31] =	ssyncadd.s32 $0xFFFFFF80  }
.Ltmp0:
0x56: {  	_ =	swait.ge [sflag:s31], $0x80;
	(pc) =	sbr.rel @!p0 .LBB2_2-.Ltmp0, $4  }
0x57: {  	[sflag:s31] =	ssyncset.done $0x0  }
0x58: {  	[sflag:s31] =	ssyncadd.s32 $0xFFFFFF80  }
0x59: {  	v1 =	vld [tilespmem:$0x103E0]  }
0x5a: {  	s18 =	sadd.s32 $0x89200, s1;
	s1 =	sadd.s32 $0xFFFFFFFF, s20;
	s20 =	simm.s32 $0x10400;
	v0 =	vld [tilespmem:$0x103F0]  }
.LBB2_1:
0x5b: {  	v2 =	vld [tilespmem:$0x102E0]  }
0x5c: {  	v3 =	vld [tilespmem:$0x103D0]  }
0x5d: {  	v4 =	vld [tilespmem:$0x102D0]  }
0x5e: {  	v5 =	vld [tilespmem:$0x103C0]  }
0x5f: {  	v6 =	vld [tilespmem:$0x102C0]  }
0x60: {  	v7 =	vld [tilespmem:$0x103A0]  }
0x61: {  	v8 =	vld [tilespmem:$0x10390]  }
0x62: {  	v9 =	vld [tilespmem:$0x102B0]  }
0x63: {  	v10 =	vld [tilespmem:$0x102A0]  }
0x64: {  	v11 =	vld [tilespmem:$0x103B0]  }
0x65: {  	v12 =	vld [tilespmem:$0x10280]  }
0x66: {  	v13 =	vld [tilespmem:$0x10290]  }
0x67: {  	v14 =	vld [tilespmem:$0x10370]  }
0x68: {  	v15 =	vld [tilespmem:$0x10380]  }
0x69: {  	v16 =	vld [tilespmem:$0x10360]  }
0x6a: {  	v17 =	vld [tilespmem:$0x10270]  }
0x6b: {  	v18 =	vld [tilespmem:$0x10350]  }
0x6c: {  	v52 =	vld [tilespmem:$0x10250]  }
0x6d: {  	v53 =	vld [tilespmem:$0x10340]  }
0x6e: {  	v55 =	vld [tilespmem:$0x10240];
	v8 =	vadd.f32 v8, v13  }
0x6f: {  	v56 =	vld [tilespmem:$0x10330];
	v7 =	vadd.f32 v7, v10  }
0x70: {  	v57 =	vld [tilespmem:$0x10260];
	v54 =	vadd.f32 v11, v9;
	[tilespmem:$0x10490] =	vst v8  }
0x71: {  	v58 =	vld [tilespmem:$0x10200];
	v5 =	vadd.f32 v5, v6;
	[tilespmem:$0x104A0] =	vst v7  }
0x72: {  	v59 =	vld [tilespmem:$0x10220];
	v12 =	vadd.f32 v15, v12;
	[tilespmem:$0x104B0] =	vst v54  }
0x73: {  	v60 =	vld [tilespmem:$0x10310];
	v3 =	vadd.f32 v3, v4;
	[tilespmem:$0x104C0] =	vst v5  }
0x74: {  	v1 =	vadd.f32 v1, v2;
	v2 =	vld [tilespmem:$0x10320];
	[tilespmem:$0x10480] =	vst v12  }
0x75: {  	v13 =	vadd.f32 v18, v52;
	[tilespmem:$0x104D0] =	vst v3;
	v3 =	vld [tilespmem:$0x10230]  }
0x76: {  	v6 =	vadd.f32 v16, v57;
	[tilespmem:$0x104E0] =	vst v1;
	v1 =	vld [tilespmem:$0x102F0]  }
0x77: {  	v62 =	vld [tilespmem:$0x10300];
	v61 =	vadd.f32 v53, v55;
	[tilespmem:$0x10450] =	vst v13  }
0x78: {  	v63 =	vld [tilespmem:$0x10210];
	v14 =	vadd.f32 v14, v17;
	[tilespmem:$0x10460] =	vst v6  }
0x79: {  	[tilespmem:$0x10440] =	vst v61;
	v2 =	vadd.f32 v2, v59  }
0x7a: {  	[tilespmem:$0x10470] =	vst v14;
	v3 =	vadd.f32 v56, v3  }
0x7b: {  	[tilespmem:$0x10420] =	vst v2;
	v0 =	vadd.f32 v0, v1  }
0x7c: {  	v1 =	vadd.f32 v62, v58;
	[tilespmem:$0x10430] =	vst v3  }
0x7d: {  	v2 =	vadd.f32 v60, v63;
	[tilespmem:$0x104F0] =	vst v0  }
0x7e: {  	[tilespmem:$0x10400] =	vst v1  }
0x7f: {  	[tilespmem:$0x10410] =	vst v2  }
0x80: {  	[hbm4b:s18+s2] =	stream.linear.scatter [tilespmem:s20], [sflag:$0x4], $0x100, $0x38;
	[tilespmem:$0x166E0] =	vst v63  }
0x81: {  	_ =	swait.ge [sflag:s3], $0x100  }
0x82: {  	[sflag:s3] =	ssyncset.done $0x0  }
0x83: {  	s0 =	rddreg [dreg:$0x6];
	[sflag:s3] =	ssyncadd.s32 $0xFFFFFF00  }
0x84: {  	[tilespmem:s2], [sflag:$0x4] =	stream.linear.gather [hbm4b:s0+s2], $0x100, $0x38;
	[tilespmem:$0x166E0] =	vst v63  }
0x85: {  	_ =	swait.ge [sflag:s3], $0x100  }
0x86: {  	[sflag:s3] =	ssyncset.done $0x0  }
0x87: {  	s0 =	rddreg [dreg:$0x7];
	[sflag:s3] =	ssyncadd.s32 $0xFFFFFF00  }
0x88: {  	[tilespmem:s8], [sflag:$0x4] =	stream.linear.gather [hbm4b:s0+s2], $0x100, $0x38;
	[tilespmem:$0x166E0] =	vst v63  }
0x89: {  	_ =	swait.ge [sflag:s3], $0x100  }
0x8a: {  	[sflag:s3] =	ssyncset.done $0x0  }
0x8b: {  	[sflag:s3] =	ssyncadd.s32 $0xFFFFFF00  }
0x8c: {  	[tilespmem:s10], [sflag:$0x1] =	stream.indirect.gather [hbm4b:s4+s9], $0x80, s2, s9, $0xb8;
	[tilespmem:$0x166E0] =	vst v63  }
0x8d: {  	_ = 	snop  }
0x8e: {  	[tilespmem:s11], [sflag:$0x1] =	stream.indirect.gather [hbm4b:s4+s9], $0x80, s9, s9, $0xb8;
	[tilespmem:$0x166E0] =	vst v63  }
0x8f: {  	_ = 	snop  }
0x90: {  	[tilespmem:s12], [sflag:$0x1] =	stream.indirect.gather [hbm4b:s5+s9], $0x80, s8, s9, $0xb8;
	[tilespmem:$0x166E0] =	vst v63  }
0x91: {  	_ = 	snop  }
0x92: {  	[tilespmem:s14], [sflag:$0x1] =	stream.indirect.gather [hbm4b:s5+s9], $0x80, s13, s9, $0xb8;
	[tilespmem:$0x166E0] =	vst v63  }
0x93: {  	s0 =	rddreg [dreg:$0x8]  }
0x94: {  	[tilespmem:s15], [sflag:$0x4] =	stream.linear.gather [hbm4b:s0+s2], $0x1870, $0x38;
	[tilespmem:$0x166E0] =	vst v63  }
0x95: {  	_ =	swait.ge [sflag:s3], $0x1870  }
0x96: {  	[sflag:s3] =	ssyncset.done $0x0  }
0x97: {  	s0 =	rddreg [dreg:$0x9];
	[sflag:s3] =	ssyncadd.s32 $0xFFFFE790  }
0x98: {  	[tilespmem:s16], [sflag:$0x4] =	stream.linear.gather [hbm4b:s0+s2], $0x1870, $0x38;
	[tilespmem:$0x166E0] =	vst v63  }
0x99: {  	_ =	swait.ge [sflag:s3], $0x1870  }
0x9a: {  	[sflag:s3] =	ssyncset.done $0x0  }
0x9b: {  	s0 =	rddreg [dreg:$0xa];
	[sflag:s3] =	ssyncadd.s32 $0xFFFFE790  }
0x9c: {  	[spmem:s0] =	stream.linear.scatter [tilespmem:s15], [sflag:$0x2], $0x1870, $0x38;
	[tilespmem:$0x166E0] =	vst v63  }
0x9d: {  	_ = 	snop  }
0x9e: {  	[spmem:s17] =	stream.linear.scatter [tilespmem:s16], [sflag:$0x2], $0x1870, $0x38;
	[tilespmem:$0x166E0] =	vst v63  }
0x9f: {  	_ =	swait.ge [sflag:s19], $0x1870  }
0xa0: {  	[sflag:s19] =	ssyncset.done $0x0  }
0xa1: {  	[sflag:s19] =	ssyncadd.s32 $0xFFFFE790  }
0xa2: {  	_ =	swait.ge [sflag:s19], $0x1870  }
0xa3: {  	[sflag:s19] =	ssyncset.done $0x0  }
0xa4: {  	[sflag:s19] =	ssyncadd.s32 $0xFFFFE790  }
0xa5: {  	[bflag:$0x0] =	sbarrier.arrive $0xFFFF  }
0xa6: {  	[tilespmem:s21], [sflag:$0x3] =	stream.indirect.gather [spmem:s6], $0x1, s2, s9, $0xb8;
	[tilespmem:$0x166E0] =	vst v63  }
0xa7: {  	_ = 	snop  }
0xa8: {  	[tilespmem:s22], [sflag:$0x3] =	stream.indirect.gather [spmem:s6], $0x1, s9, s9, $0xb8;
	[tilespmem:$0x166E0] =	vst v63  }
0xa9: {  	_ = 	snop  }
0xaa: {  	[tilespmem:s23], [sflag:$0x3] =	stream.indirect.gather [spmem:s7], $0x1, s8, s9, $0xb8;
	[tilespmem:$0x166E0] =	vst v63  }
0xab: {  	_ = 	snop  }
0xac: {  	[tilespmem:s24], [sflag:$0x3] =	stream.indirect.gather [spmem:s7], $0x1, s13, s9, $0xb8;
	[tilespmem:$0x166E0] =	vst v63  }
0xad: {  	_ =	swait.ge [sflag:s25], $0x4000  }
0xae: {  	[sflag:s25] =	ssyncset.done $0x0  }
0xaf: {  	[sflag:s25] =	ssyncadd.s32 $0xFFFFC000  }
0xb0: {  	_ =	swait.ge [sflag:s25], $0x4000  }
0xb1: {  	[sflag:s25] =	ssyncset.done $0x0  }
0xb2: {  	[sflag:s25] =	ssyncadd.s32 $0xFFFFC000  }
0xb3: {  	_ =	swait.ge [sflag:s25], $0x4000  }
0xb4: {  	[sflag:s25] =	ssyncset.done $0x0  }
0xb5: {  	[sflag:s25] =	ssyncadd.s32 $0xFFFFC000  }
0xb6: {  	_ =	swait.ge [sflag:s25], $0x4000  }
0xb7: {  	[sflag:s25] =	ssyncset.done $0x0  }
0xb8: {  	[sflag:s25] =	ssyncadd.s32 $0xFFFFC000  }
0xb9: {  	[hbm4b:s26+s28] =	stream.strided.scatter [tilespmem:s10], [sflag:$0x4], $0x8000, s29, s28, $0x38;
	[tilespmem:$0x166E0] =	vst v63  }
0xba: {  	_ =	swait.ge [sflag:s3], $0x8000  }
0xbb: {  	[sflag:s3] =	ssyncset.done $0x0  }
0xbc: {  	[sflag:s3] =	ssyncadd.s32 $0xFFFF8000  }
0xbd: {  	[hbm4b:s30+s28] =	stream.strided.scatter [tilespmem:s12], [sflag:$0x4], $0x8000, s29, s28, $0x38;
	[tilespmem:$0x166E0] =	vst v63  }
0xbe: {  	_ =	swait.ge [sflag:s3], $0x8000  }
0xbf: {  	[sflag:s3] =	ssyncset.done $0x0  }
0xc0: {  	[sflag:s3] =	ssyncadd.s32 $0xFFFF8000  }
0xc1: {  	_ =	swait.ge [sflag:s31], $0x80  }
0xc2: {  	[sflag:s31] =	ssyncset.done $0x0  }
0xc3: {  	[sflag:s31] =	ssyncadd.s32 $0xFFFFFF80  }
0xc4: {  	_ =	swait.ge [sflag:s31], $0x80  }
0xc5: {  	[sflag:s31] =	ssyncset.done $0x0  }
0xc6: {  	[sflag:s31] =	ssyncadd.s32 $0xFFFFFF80  }
0xc7: {  	_ =	swait.ge [sflag:s31], $0x80  }
0xc8: {  	[sflag:s31] =	ssyncset.done $0x0  }
0xc9: {  	p0 =	sne.s32 s1, $0x1;
	[sflag:s31] =	ssyncadd.s32 $0xFFFFFF80  }
.Ltmp1:
0xca: {  	_ =	swait.ge [sflag:s31], $0x80;
	(pc) =	sbr.rel @p0 .LBB2_1-.Ltmp1, $4  }
0xcb: {  	[sflag:s31] =	ssyncset.done $0x0  }
0xcc: {  	[sflag:s31] =	ssyncadd.s32 $0xFFFFFF80  }
0xcd: {  	v1 =	vld [tilespmem:$0x103E0]  }
0xce: {  	s1 =	sadd.s32 $0xFFFFFFFF, s1;
	v0 =	vld [tilespmem:$0x103F0]  }
.LBB2_2:
0xcf: {  	v2 =	vld [tilespmem:$0x102E0]  }
0xd0: {  	v3 =	vld [tilespmem:$0x103D0]  }
0xd1: {  	v4 =	vld [tilespmem:$0x102D0]  }
0xd2: {  	v5 =	vld [tilespmem:$0x103C0]  }
0xd3: {  	v6 =	vld [tilespmem:$0x102C0]  }
0xd4: {  	v7 =	vld [tilespmem:$0x103A0]  }
0xd5: {  	v8 =	vld [tilespmem:$0x10390]  }
0xd6: {  	v9 =	vld [tilespmem:$0x102B0]  }
0xd7: {  	v10 =	vld [tilespmem:$0x102A0]  }
0xd8: {  	v11 =	vld [tilespmem:$0x103B0]  }
0xd9: {  	v12 =	vld [tilespmem:$0x10280]  }
0xda: {  	v13 =	vld [tilespmem:$0x10290]  }
0xdb: {  	v14 =	vld [tilespmem:$0x10370]  }
0xdc: {  	v15 =	vld [tilespmem:$0x10380]  }
0xdd: {  	v16 =	vld [tilespmem:$0x10360]  }
0xde: {  	v17 =	vld [tilespmem:$0x10270]  }
0xdf: {  	v18 =	vld [tilespmem:$0x10350]  }
0xe0: {  	v19 =	vld [tilespmem:$0x10250]  }
0xe1: {  	v20 =	vld [tilespmem:$0x10340]  }
0xe2: {  	v46 =	vld [tilespmem:$0x10240];
	v8 =	vadd.f32 v8, v13  }
0xe3: {  	v47 =	vld [tilespmem:$0x10330];
	v7 =	vadd.f32 v7, v10  }
0xe4: {  	v49 =	vld [tilespmem:$0x10260];
	v48 =	vadd.f32 v11, v9;
	[tilespmem:$0x10490] =	vst v8  }
0xe5: {  	v50 =	vld [tilespmem:$0x10200];
	v5 =	vadd.f32 v5, v6;
	[tilespmem:$0x104A0] =	vst v7  }
0xe6: {  	v52 =	vld [tilespmem:$0x10220];
	v51 =	vadd.f32 v15, v12;
	[tilespmem:$0x104B0] =	vst v48  }
0xe7: {  	v53 =	vld [tilespmem:$0x10310];
	v3 =	vadd.f32 v3, v4;
	[tilespmem:$0x104C0] =	vst v5  }
0xe8: {  	v56 =	vld [tilespmem:$0x10230];
	v54 =	vadd.f32 v18, v19;
	[tilespmem:$0x10480] =	vst v51  }
0xe9: {  	v58 =	vld [tilespmem:$0x102F0];
	v1 =	vadd.f32 v1, v2;
	[tilespmem:$0x104D0] =	vst v3  }
0xea: {  	v62 =	vld [tilespmem:$0x10210];
	v57 =	vadd.f32 v16, v49;
	[tilespmem:$0x10450] =	vst v54  }
0xeb: {  	v55 =	vld [tilespmem:$0x10320];
	v59 =	vadd.f32 v20, v46;
	[tilespmem:$0x104E0] =	vst v1  }
0xec: {  	v60 =	vld [tilespmem:$0x10300];
	v61 =	vadd.f32 v14, v17;
	[tilespmem:$0x10460] =	vst v57  }
0xed: {  	v2 =	vadd.f32 v47, v56;
	[tilespmem:$0x10440] =	vst v59  }
0xee: {  	v0 =	vadd.f32 v0, v58;
	[tilespmem:$0x10470] =	vst v61  }
0xef: {  	v63 =	vadd.f32 v53, v62;
	[tilespmem:$0x10430] =	vst v2  }
0xf0: {  	v7 =	vadd.f32 v55, v52;
	[tilespmem:$0x104F0] =	vst v0  }
0xf1: {  	v1 =	vadd.f32 v60, v50;
	[tilespmem:$0x10410] =	vst v63  }
0xf2: {  	[tilespmem:$0x10420] =	vst v7  }
0xf3: {  	[tilespmem:$0x10400] =	vst v1  }
0xf4: {  	[hbm4b:s18+s2] =	stream.linear.scatter [tilespmem:s20], [sflag:$0x4], $0x100, $0x38;
	[tilespmem:$0x166E0] =	vst v63  }
0xf5: {  	_ =	swait.ge [sflag:s3], $0x100  }
0xf6: {  	[sflag:s3] =	ssyncset.done $0x0  }
0xf7: {  	[sflag:s3] =	ssyncadd.s32 $0xFFFFFF00  }
0xf8: {  	_ =	sfence.sel $0x180000  }
0xf9: {  	[bflag:$0x0] =	sbarrier.arrive $0xFFFF  }
0xfa: {  	_ =	strace $0x9000004A  }
0xfb: {  	s0 =	stileid.u32;
	[bflag:$0x2] =	sbarrier.arrive $0xFFFF  }
0xfc: {  	p0 =	sne.s32 s0, $0x0;
	s0 =	rddreg [dreg:$0x5]  }
0xfd: {  	s0 =	sadd.s32 @!p0 $0x100000, s0  }
0xfe: {  	[sflag:s0] =	ssyncadd.tile.s32 @!p0 $0x1;
	_ =	shalt  }
.Lfunc_end2:
_tile_overlayer_lowered:
.L_overlay_start_2:
0xff: {  	(tag) =	ssettag $0x2  }
0x100: {  	s0 =	rddreg [dreg:$0x0];
	s2 =	stileid.u32  }
0x101: {  	s1 =	rddreg [dreg:$0x1];
	p0 =	sne.s32 s2, $0x0  }
0x102: {  	s3 =	rddreg [dreg:$0x2];
	[bflag:$0x3] =	sbarrier.arrive $0xFFFF;
	s2 =	simm.s32 @!p0 $0x1C04  }
0x103: {  	[timem:s3], [sflag:s2] =	dma.local @!p0 [hbm:s0], s1  }
0x104: {  	s0 =	simm.s32 @!p0 $0x4  }
0x105: {  	_ =	swait.ge @!p0 [sflag:s0], s1  }
0x106: {  	s1 =	ssub.s32 @!p0 $0x0, s1;
	[sflag:s0] =	ssyncset.done @!p0 $0x0  }
0x107: {  	[sflag:s0] =	ssyncadd.s32 @!p0 s1  }
0x108: {  	[bflag:$0x3] =	sbarrier.arrive $0xFFFF  }
0x109: {  	_ =	shalt  }

// kernel: kernel.9.cloned.1.call-start
scs
__scs_entry_jumppad:
0x0: {  	(pc) =	sbr.rel $0x88, $3  }
0x1: {  	(tag) =	ssettag $0x0;
	lr =	simm.s32 $0x1  }
0x2: {  	[smem:$0x3F95] =	sst lr;
	_ =	strace $0xD0000000  }
0x3: {  	_ = 	snop  }
0x4: {  	_ = 	snop  }
0x5: {  	_ = 	snop  }
0x6: {  	_ = 	snop  }
0x7: {  	_ = 	snop  }
__scs_overlays_trampoline_lowered:
0x8: {  	[smem:$0x3FA4] =	sst s0  }
0x9: {  	[smem:$0x3FA5] =	sst s1  }
0xa: {  	[smem:$0x3FA6] =	sst s2  }
0xb: {  	[smem:$0x3FA7] =	sst s3  }
0xc: {  	[smem:$0x3FA8] =	sst s4  }
0xd: {  	[smem:$0x3FA9] =	sst s5  }
0xe: {  	[smem:$0x3FAA] =	sst s6  }
0xf: {  	[smem:$0x3FAB] =	sst s7  }
0x10: {  	[smem:$0x3FAC] =	sst s8  }
0x11: {  	[smem:$0x3FAD] =	sst s9;
	s0 =	simm.s32 @!p0 $0x0  }
0x12: {  	s1 =	sld [smem:$0x3F93];
	s0 =	simm.s32 @p0 $0x1  }
0x13: {  	[smem:$0x3FAE] =	sst s0;
	s0 =	simm.s32 @!p1 $0x0  }
0x14: {  	s2 =	sld [smem:$0x3F92];
	s0 =	simm.s32 @p1 $0x1  }
0x15: {  	[smem:$0x3FAF] =	sst s0;
	s0 =	simm.s32 @!p2 $0x0  }
0x16: {  	s3 =	sld [smem:$0x3FDB];
	s0 =	simm.s32 @p2 $0x1  }
0x17: {  	s4 =	simm.s32 $0x1BF5;
	[smem:$0x3FB1] =	sst s0  }
0x18: {  	s0 =	sld [smem:$0x3F94];
	_ =	swait.ge [sflag:s4], $0x0  }
0x19: {  	s7 =	sld [smem:$0x3F95]  }
0x1a: {  	s8 =	sadd.s32 $0xFFFFE003, lr  }
0x1b: {  	s9 =	sadd.s32 $0xFFFFFEF7, lr;
	s5 =	simm.s32 $0xFFFFFFFF;
	p2 =	slt.u32 s8, $0xFFFFF086  }
0x1c: {  	p1 =	slt.u32 s9, $0xF7A;
	s5 =	simm.s32 @!p2 $0x0  }
0x1d: {  	s5 =	simm.s32 @p1 $0x1;
	p0 =	seq.s32 s7, s2  }
0x1e: {  	s7 =	smul.u32 @!p0 $0xF7A, s2;
	p2 =	seq.s32 @!p0 s5, $0x0  }
0x1f: {  	s9 =	smul.u32 $0xF7A, s1;
	s8 =	simm.s32 @!p0 $0x1BF5;
	p2 =	por !p2, p0  }
0x20: {  	[sflag:s8] =	ssyncset.s32 @!p0 $0xFFFFF086;
	s6 =	sadd.s32 @!p0 s3, s7;
	s7 =	simm.s32 @!p0 $0x108  }
0x21: {  	s3 =	sadd.s32 s3, s9;
	s6 =	sadd.s32 @!p0 $0x88, s6;
	s7 =	simm.s32 @p2 $0x1082  }
0x22: {  	[simem:s7], [sflag:s8] =	dma.local @!p0 [hbm:s6], $0xF7A  }
0x23: {  	s9 =	sor.u32 $0xD0000000, s2;
	s6 =	simm.s32 $0x108;
	_ =	swait.ge @!p0 [sflag:s8], $0x0  }
0x24: {  	s3 =	sadd.s32 $0x88, s3;
	s6 =	simm.s32 @!p1 $0x1082;
	[sflag:s4] =	ssyncset.s32 $0xFFFFF086  }
0x25: {  	[simem:s6], [sflag:s4] =	dma.local [hbm:s3], $0xF7A  }
0x26: {  	[smem:$0x3F95] =	sst s1;
	(tag) =	ssettag s2;
	_ =	strace s9  }
0x27: {  	s1 =	sld [smem:$0x3FA5]  }
0x28: {  	s2 =	sld [smem:$0x3FA6]  }
0x29: {  	s4 =	sld [smem:$0x3FA8]  }
0x2a: {  	p0 =	seq.s32 s5, $0x0;
	s5 =	sld [smem:$0x3FA9]  }
0x2b: {  	s6 =	sld [smem:$0x3FAA]  }
0x2c: {  	s7 =	sld [smem:$0x3FAB]  }
0x2d: {  	s3 =	simm.s32 $0x108;
	s8 =	sld [smem:$0x3FAC]  }
0x2e: {  	s3 =	simm.s32 @!p0 $0x1082;
	s9 =	sld [smem:$0x3FAD]  }
0x2f: {  	lr =	sadd.s32 s0, s3;
	s0 =	sld [smem:$0x3FA4]  }
0x30: {  	s3 =	sld [smem:$0x3FA7]  }
0x31: {  	[smem:$0x3FB0] =	sst s10  }
0x32: {  	s10 =	sld [smem:$0x3FAE];
	_ =	sdelay $0x3  }
0x33: {  	p0 =	seq.s32 s10, $0x1;
	s10 =	sld [smem:$0x3FB0];
	_ =	sdelay $0x3  }
0x34: {  	[smem:$0x3FB0] =	sst s10  }
0x35: {  	s10 =	sld [smem:$0x3FAF];
	_ =	sdelay $0x3  }
0x36: {  	p1 =	seq.s32 s10, $0x1;
	s10 =	sld [smem:$0x3FB0];
	_ =	sdelay $0x3  }
0x37: {  	[smem:$0x3FB0] =	sst s10  }
0x38: {  	s10 =	sld [smem:$0x3FB1]  }
0x39: {  	_ = 	snop;
	(pc) =	sbr.ind lr, $3  }
0x3a: {  	_ = 	snop  }
0x3b: {  	_ = 	snop  }
0x3c: {  	p2 =	seq.s32 s10, $0x1;
	s10 =	sld [smem:$0x3FB0]  }
0x3d: {  	_ =	shalt  }
0x3e: {  	_ =	shalt  }
0x3f: {  	_ =	shalt  }
0x40: {  	_ =	shalt  }
0x41: {  	_ =	shalt  }
0x42: {  	_ =	shalt  }
0x43: {  	_ =	shalt  }
0x44: {  	_ =	shalt  }
0x45: {  	_ =	shalt  }
0x46: {  	_ =	shalt  }
0x47: {  	_ =	shalt  }
0x48: {  	_ =	shalt  }
0x49: {  	_ =	shalt  }
0x4a: {  	_ =	shalt  }
0x4b: {  	_ =	shalt  }
0x4c: {  	_ =	shalt  }
0x4d: {  	_ =	shalt  }
0x4e: {  	_ =	shalt  }
0x4f: {  	_ =	shalt  }
0x50: {  	_ =	shalt  }
0x51: {  	_ =	shalt  }
0x52: {  	_ =	shalt  }
0x53: {  	_ =	shalt  }
0x54: {  	_ =	shalt  }
0x55: {  	_ =	shalt  }
0x56: {  	_ =	shalt  }
0x57: {  	_ =	shalt  }
0x58: {  	_ =	shalt  }
0x59: {  	_ =	shalt  }
0x5a: {  	_ =	shalt  }
0x5b: {  	_ =	shalt  }
0x5c: {  	_ =	shalt  }
0x5d: {  	_ =	shalt  }
0x5e: {  	_ =	shalt  }
0x5f: {  	_ =	shalt  }
0x60: {  	_ =	shalt  }
0x61: {  	_ =	shalt  }
0x62: {  	_ =	shalt  }
0x63: {  	_ =	shalt  }
0x64: {  	_ =	shalt  }
0x65: {  	_ =	shalt  }
0x66: {  	_ =	shalt  }
0x67: {  	_ =	shalt  }
0x68: {  	_ =	shalt  }
0x69: {  	_ =	shalt  }
0x6a: {  	_ =	shalt  }
0x6b: {  	_ =	shalt  }
0x6c: {  	_ =	shalt  }
0x6d: {  	_ =	shalt  }
0x6e: {  	_ =	shalt  }
0x6f: {  	_ =	shalt  }
0x70: {  	_ =	shalt  }
0x71: {  	_ =	shalt  }
0x72: {  	_ =	shalt  }
0x73: {  	_ =	shalt  }
0x74: {  	_ =	shalt  }
0x75: {  	_ =	shalt  }
0x76: {  	_ =	shalt  }
0x77: {  	_ =	shalt  }
0x78: {  	_ =	shalt  }
0x79: {  	_ =	shalt  }
0x7a: {  	_ =	shalt  }
0x7b: {  	_ =	shalt  }
0x7c: {  	_ =	shalt  }
0x7d: {  	_ =	shalt  }
0x7e: {  	_ =	shalt  }
0x7f: {  	_ =	shalt  }
0x80: {  	_ =	shalt  }
0x81: {  	_ =	shalt  }
0x82: {  	_ =	shalt  }
0x83: {  	_ =	shalt  }
0x84: {  	_ =	shalt  }
0x85: {  	_ =	shalt  }
0x86: {  	_ =	shalt  }
0x87: {  	_ =	shalt  }
.Lfunc_end0:
.L_simem_size_0:
called_computation.1_lowered:
.L_overlay_start_0:
0x88: {  	s2 =	sld [smem:$0x3FD9]  }
0x89: {  	s3 =	sld [smem:$0x3FFE];
	_ =	sdelay $0x1  }
0x8a: {  	s1 =	srdreg.scid  }
0x8b: {  	s0 =	sand.u32 $0x1, s1  }
0x8c: {  	s17 =	sshll.u32 s0, $0xA;
	s2 =	sadd.s32 s3, s2  }
0x8d: {  	s2 =	sadd.s32 s2, s17  }
0x8e: {  	[smem:$0x3FBC] =	sst s2  }
0x8f: {  	_ = 	snop  }
0x90: {  	s2 =	sld [smem:$0x3FC6]  }
0x91: {  	s18 =	sld [smem:$0x3FC5]  }
0x92: {  	s4 =	sld [smem:$0x3FD0];
	(tm) =	ssettm $0x1  }
0x93: {  	s5 =	sld [smem:$0x3FFB];
	_ =	sdelay $0x3  }
0x94: {  	_ =	strace s5  }
0x95: {  	s5 =	sld [smem:$0x3FFC];
	_ =	sdelay $0x3  }
0x96: {  	_ =	strace s5  }
0x97: {  	s5 =	sld [smem:$0x3FFD];
	_ =	sdelay $0x3  }
0x98: {  	_ =	strace s5  }
0x99: {  	_ =	strace $0x8FFFFFFF  }
0x9a: {  	s19 =	sld [smem:$0x3FDB];
	_ =	sdelay $0x1  }
0x9b: {  	s6 =	simm.s32 $_scs_section_size  }
0x9c: {  	s7 =	simm.s32 $_size__tile_overlayer_lowered;
	s8 =	simm.s32 $_tile_overlayer_lowered  }
0x9d: {  	s22 =	simm.s32 $0x1BFF;
	s21 =	sshll.u32 s8, $0x1;
	s5 =	sadd.s32 s6, s19  }
0x9e: {  	s9 =	simm.s32 $0x0;
	s20 =	sshll.u32 s7, $0x1;
	s7 =	sadd.s32 s21, s5  }
0x9f: {  	[timem:s9], [sflag:s22] =	dma.local [hbm:s7], s20  }
0xa0: {  	_ =	swait.ge [sflag:s22], s20  }
0xa1: {  	s6 =	ssub.s32 $0x0, s20;
	[sflag:s22] =	ssyncset.done $0x0  }
0xa2: {  	[sflag:s22] =	ssyncadd.s32 s6;
	_ =	sdelay $0x1  }
0xa3: {  	s23 =	simm.s32 $0x1B8B  }
0xa4: {  	_ =	swait.ge [sflag:s23], $0x1  }
0xa5: {  	[sflag:s23] =	ssyncset.done $0x0  }
0xa6: {  	s25 =	simm.s32 $0x1B8E;
	s24 =	sld [smem:$0x3FFE];
	[sflag:s23] =	ssyncadd.s32 $0xFFFFFFFF  }
0xa7: {  	s26 =	simm.s32 $execute0_lowered;
	[smem:$0x3FD2] =	sst s25  }
0xa8: {  	s7 =	sshll.u32 s26, $0x1;
	_ =	strace $0x80000046;
	[dreg:$0x1] =	wrdreg $0xFFFFFFFF  }
0xa9: {  	s28 =	simm.s32 $_size_execute0_lowered;
	s5 =	sadd.s32 s5, s7;
	[dreg:$0x0] =	wrdreg $0x0  }
0xaa: {  	s7 =	sshll.u32 s28, $0x1;
	[dreg:$0x2] =	wrdreg s5  }
0xab: {  	[dreg:$0x3] =	wrdreg s7  }
0xac: {  	[dreg:$0x4] =	wrdreg $0xC0  }
0xad: {  	_ =	task [dreg:s9], $0x5FFFF  }
0xae: {  	[dreg:$0x1] =	wrdreg $0xFFFFFFFF  }
0xaf: {  	[dreg:$0x0] =	wrdreg $0x60  }
0xb0: {  	[dreg:$0x2] =	wrdreg s2  }
0xb1: {  	[dreg:$0x3] =	wrdreg s18  }
0xb2: {  	[dreg:$0x4] =	wrdreg s24  }
0xb3: {  	[dreg:$0x5] =	wrdreg s4  }
0xb4: {  	[dreg:$0x6] =	wrdreg $0x136000  }
0xb5: {  	[dreg:$0x7] =	wrdreg $0x14E700  }
0xb6: {  	[dreg:$0x8] =	wrdreg $0xA  }
0xb7: {  	_ =	task.clear_ibuf [dreg:s9], $0x9FFFF;
	_ =	strace $0x90000046  }
0xb8: {  	s29 =	simm.s32 $0xA;
	_ =	strace $0x80000048  }
0xb9: {  	_ =	swait.ge [sflag:s29], $0x1  }
0xba: {  	[sflag:s29] =	ssyncadd.s32 $0xFFFFFFFF  }
0xbb: {  	_ =	strace $0x90000048  }
0xbc: {  	_ =	sfence  }
0xbd: {  	s30 =	sld [smem:$0x0];
	_ =	sdelay $0x2  }
0xbe: {  	s31 =	sshll.u32 s1, $0xD;
	s1 =	sshrl.u32 s1, $0x2  }
0xbf: {  	s3 =	sand.u32 $0x4000, s31;
	s1 =	sadd.s32 s1, s30  }
0xc0: {  	s0 =	sor.u32 s3, s0;
	s1 =	sshll.u32 s1, $0x11  }
0xc1: {  	s0 =	sor.u32 s1, s0  }
0xc2: {  	s0 =	sadd.s32 $0x8F2B, s0  }
0xc3: {  	[sflag:s0] =	ssyncadd.remote.s32 $0x1  }
0xc4: {  	_ =	sfence.sel $0xFFFF  }
0xc5: {  	[dreg:$0x0] =	wrdreg $0xFFFFFFFF;
	(pc) =	sbr.abs _section_cstart, $3  }
0xc6: {  	[dreg:$0x1] =	wrdreg $0xFFFFFFFF  }
0xc7: {  	_ =	task.clear_ibuf [dreg:s9], $0x2FFFF;
	_ =	strace $0x9FFFFFFF  }
0xc8: {  	(tm) =	ssettm $0x7FFFFFFF  }
0xc9: {  	_ =	shalt  }
tec
execute0_lowered:
.L_overlay_start_1:
0x0: {  	(tag) =	ssettag $0x1  }
0x1: {  	s4 =	rddreg [dreg:$0x0]  }
0x2: {  	s5 =	rddreg [dreg:$0x1]  }
0x3: {  	s20 =	rddreg [dreg:$0x2]  }
0x4: {  	s3 =	rddreg [dreg:$0x3]  }
0x5: {  	s6 =	rddreg [dreg:$0x4];
	s0 =	srdreg.scid  }
0x6: {  	s1 =	stileid.u32;
	s2 =	simm.s32 $0x0;
	s18 =	sand.u32 $0x1, s0  }
0x7: {  	s14 =	sshll.u32 s1, $0x1;
	[smem:$0x7FF] =	sst s2;
	s17 =	smul.u32 $0x1870, s1  }
0x8: {  	s7 =	rddreg [dreg:$0x5];
	s26 =	sor.u32 s18, s14;
	_ =	strace $0x80000047  }
0x9: {  	s8 =	sshll.u32 s26, $0x5;
	s9 =	sshrl.u32 s17, $0x3;
	s23 =	sadd.s32 s17, s6  }
0xa: {  	s0 =	sadd.s32 s8, s20;
	s3 =	sadd.s32 s3, s8;
	[dreg:$0xb] =	wrdreg s23  }
0xb: {  	s15 =	sadd.s32 s9, s20;
	[dreg:$0x7] =	wrdreg s3;
	s16 =	sadd.s32 $0x1E00, s0  }
0xc: {  	s19 =	sadd.s32 $0x2200, s15;
	[dreg:$0x8] =	wrdreg s16  }
0xd: {  	[dreg:$0x9] =	wrdreg s19  }
0xe: {  	s21 =	sadd.s32 $0x5400, s15;
	s22 =	rddreg [dreg:$0x7]  }
0xf: {  	s3 =	simm.s32 $0x4;
	[dreg:$0xa] =	wrdreg s21  }
0x10: {  	[tilespmem:s2], [sflag:$0x4] =	stream.linear.gather [hbm4b:s22+s2], $0x100, $0x38;
	[tilespmem:$0x166E0] =	vst v63  }
0x11: {  	_ =	swait.ge [sflag:s3], $0x100  }
0x12: {  	[sflag:s3] =	ssyncset.done $0x0  }
0x13: {  	s8 =	simm.s32 $0x100;
	s24 =	rddreg [dreg:$0x8];
	[sflag:s3] =	ssyncadd.s32 $0xFFFFFF00  }
0x14: {  	[tilespmem:s8], [sflag:$0x4] =	stream.linear.gather [hbm4b:s24+s2], $0x100, $0x38;
	[tilespmem:$0x166E0] =	vst v63  }
0x15: {  	_ =	swait.ge [sflag:s3], $0x100  }
0x16: {  	[sflag:s3] =	ssyncset.done $0x0  }
0x17: {  	s10 =	simm.s32 $0x200;
	s9 =	simm.s32 $0x80;
	[sflag:s3] =	ssyncadd.s32 $0xFFFFFF00  }
0x18: {  	[tilespmem:s10], [sflag:$0x1] =	stream.indirect.gather [hbm4b:s4+s9], $0x80, s2, s9, $0xb8;
	[tilespmem:$0x166E0] =	vst v63  }
0x19: {  	s11 =	simm.s32 $0x4200  }
0x1a: {  	[tilespmem:s11], [sflag:$0x1] =	stream.indirect.gather [hbm4b:s4+s9], $0x80, s9, s9, $0xb8;
	[tilespmem:$0x166E0] =	vst v63  }
0x1b: {  	s12 =	simm.s32 $0x8200  }
0x1c: {  	[tilespmem:s12], [sflag:$0x1] =	stream.indirect.gather [hbm4b:s5+s9], $0x80, s8, s9, $0xb8;
	[tilespmem:$0x166E0] =	vst v63  }
0x1d: {  	s13 =	simm.s32 $0x180;
	s14 =	simm.s32 $0xC200  }
0x1e: {  	[tilespmem:s14], [sflag:$0x1] =	stream.indirect.gather [hbm4b:s5+s9], $0x80, s13, s9, $0xb8;
	[tilespmem:$0x166E0] =	vst v63  }
0x1f: {  	s15 =	simm.s32 $0x10500;
	s16 =	rddreg [dreg:$0x9]  }
0x20: {  	[tilespmem:s15], [sflag:$0x4] =	stream.linear.gather [hbm4b:s16+s2], $0x1870, $0x38;
	[tilespmem:$0x166E0] =	vst v63  }
0x21: {  	_ =	swait.ge [sflag:s3], $0x1870  }
0x22: {  	[sflag:s3] =	ssyncset.done $0x0  }
0x23: {  	s16 =	simm.s32 $0x11D80;
	s19 =	rddreg [dreg:$0xa];
	[sflag:s3] =	ssyncadd.s32 $0xFFFFE790  }
0x24: {  	[tilespmem:s16], [sflag:$0x4] =	stream.linear.gather [hbm4b:s19+s2], $0x1870, $0x38;
	[tilespmem:$0x166E0] =	vst v63  }
0x25: {  	_ =	swait.ge [sflag:s3], $0x1870  }
0x26: {  	[sflag:s3] =	ssyncset.done $0x0  }
0x27: {  	s25 =	rddreg [dreg:$0xb];
	[sflag:s3] =	ssyncadd.s32 $0xFFFFE790  }
0x28: {  	[spmem:s25] =	stream.linear.scatter [tilespmem:s15], [sflag:$0x2], $0x1870, $0x38;
	[tilespmem:$0x166E0] =	vst v63  }
0x29: {  	s17 =	sadd.s32 s17, s7;
	s19 =	simm.s32 $0x2  }
0x2a: {  	[spmem:s17] =	stream.linear.scatter [tilespmem:s16], [sflag:$0x2], $0x1870, $0x38;
	[tilespmem:$0x166E0] =	vst v63  }
0x2b: {  	_ =	swait.ge [sflag:s19], $0x1870  }
0x2c: {  	[sflag:s19] =	ssyncset.done $0x0  }
0x2d: {  	[sflag:s19] =	ssyncadd.s32 $0xFFFFE790  }
0x2e: {  	_ =	swait.ge [sflag:s19], $0x1870  }
0x2f: {  	[sflag:s19] =	ssyncset.done $0x0  }
0x30: {  	[sflag:s19] =	ssyncadd.s32 $0xFFFFE790  }
0x31: {  	s21 =	simm.s32 $0x10200;
	[bflag:$0x0] =	sbarrier.arrive $0xFFFF  }
0x32: {  	[tilespmem:s21], [sflag:$0x3] =	stream.indirect.gather [spmem:s6], $0x1, s2, s9, $0xb8;
	[tilespmem:$0x166E0] =	vst v63  }
0x33: {  	s22 =	simm.s32 $0x10280  }
0x34: {  	[tilespmem:s22], [sflag:$0x3] =	stream.indirect.gather [spmem:s6], $0x1, s9, s9, $0xb8;
	[tilespmem:$0x166E0] =	vst v63  }
0x35: {  	s23 =	simm.s32 $0x10300  }
0x36: {  	[tilespmem:s23], [sflag:$0x3] =	stream.indirect.gather [spmem:s7], $0x1, s8, s9, $0xb8;
	[tilespmem:$0x166E0] =	vst v63  }
0x37: {  	s24 =	simm.s32 $0x10380;
	s25 =	simm.s32 $0x1  }
0x38: {  	[tilespmem:s24], [sflag:$0x3] =	stream.indirect.gather [spmem:s7], $0x1, s13, s9, $0xb8;
	[tilespmem:$0x166E0] =	vst v63  }
0x39: {  	_ =	swait.ge [sflag:s25], $0x4000  }
0x3a: {  	[sflag:s25] =	ssyncset.done $0x0  }
0x3b: {  	[sflag:s25] =	ssyncadd.s32 $0xFFFFC000  }
0x3c: {  	_ =	swait.ge [sflag:s25], $0x4000  }
0x3d: {  	[sflag:s25] =	ssyncset.done $0x0  }
0x3e: {  	[sflag:s25] =	ssyncadd.s32 $0xFFFFC000  }
0x3f: {  	_ =	swait.ge [sflag:s25], $0x4000  }
0x40: {  	[sflag:s25] =	ssyncset.done $0x0  }
0x41: {  	[sflag:s25] =	ssyncadd.s32 $0xFFFFC000  }
0x42: {  	s26 =	sshll.u32 s26, $0xD;
	_ =	swait.ge [sflag:s25], $0x4000  }
0x43: {  	s28 =	simm.s32 $0x400;
	s20 =	sadd.s32 s26, s20;
	[sflag:s25] =	ssyncset.done $0x0  }
0x44: {  	s29 =	simm.s32 $0x800;
	s26 =	sadd.s32 $0x8600, s20;
	[sflag:s25] =	ssyncadd.s32 $0xFFFFC000  }
0x45: {  	[hbm4b:s26+s28] =	stream.strided.scatter [tilespmem:s10], [sflag:$0x4], $0x8000, s29, s28, $0x38;
	[tilespmem:$0x166E0] =	vst v63  }
0x46: {  	_ =	swait.ge [sflag:s3], $0x8000  }
0x47: {  	[sflag:s3] =	ssyncset.done $0x0  }
0x48: {  	s30 =	sadd.s32 $0x8680, s20;
	[sflag:s3] =	ssyncadd.s32 $0xFFFF8000  }
0x49: {  	[hbm4b:s30+s28] =	stream.strided.scatter [tilespmem:s12], [sflag:$0x4], $0x8000, s29, s28, $0x38;
	[tilespmem:$0x166E0] =	vst v63  }
0x4a: {  	_ =	swait.ge [sflag:s3], $0x8000  }
0x4b: {  	[sflag:s3] =	ssyncset.done $0x0  }
0x4c: {  	s31 =	simm.s32 $0x3;
	[sflag:s3] =	ssyncadd.s32 $0xFFFF8000  }
0x4d: {  	_ =	swait.ge [sflag:s31], $0x80  }
0x4e: {  	[sflag:s31] =	ssyncset.done $0x0  }
0x4f: {  	[sflag:s31] =	ssyncadd.s32 $0xFFFFFF80  }
0x50: {  	_ =	swait.ge [sflag:s31], $0x80  }
0x51: {  	s18 =	ssub.s32 $0x2, s18;
	[sflag:s31] =	ssyncset.done $0x0  }
0x52: {  	s1 =	sshrl.u32 s18, $0x1;
	[sflag:s31] =	ssyncadd.s32 $0xFFFFFF80  }
0x53: {  	s18 =	ssub.s32 s18, s1;
	_ =	swait.ge [sflag:s31], $0x80  }
0x54: {  	s20 =	smax.u32 s18, $0x1;
	[sflag:s31] =	ssyncset.done $0x0  }
0x55: {  	p0 =	sne.s32 s20, $0x1;
	[sflag:s31] =	ssyncadd.s32 $0xFFFFFF80  }
.Ltmp0:
0x56: {  	_ =	swait.ge [sflag:s31], $0x80;
	(pc) =	sbr.rel @!p0 .LBB2_2-.Ltmp0, $4  }
0x57: {  	[sflag:s31] =	ssyncset.done $0x0  }
0x58: {  	[sflag:s31] =	ssyncadd.s32 $0xFFFFFF80  }
0x59: {  	v1 =	vld [tilespmem:$0x103E0]  }
0x5a: {  	s18 =	sadd.s32 $0x48600, s0;
	s0 =	sadd.s32 $0xFFFFFFFF, s20;
	s20 =	simm.s32 $0x10400;
	v0 =	vld [tilespmem:$0x103F0]  }
.LBB2_1:
0x5b: {  	v2 =	vld [tilespmem:$0x102E0]  }
0x5c: {  	v3 =	vld [tilespmem:$0x103D0]  }
0x5d: {  	v4 =	vld [tilespmem:$0x102D0]  }
0x5e: {  	v5 =	vld [tilespmem:$0x103C0]  }
0x5f: {  	v6 =	vld [tilespmem:$0x102C0]  }
0x60: {  	v7 =	vld [tilespmem:$0x103A0]  }
0x61: {  	v8 =	vld [tilespmem:$0x10390]  }
0x62: {  	v9 =	vld [tilespmem:$0x102B0]  }
0x63: {  	v10 =	vld [tilespmem:$0x102A0]  }
0x64: {  	v11 =	vld [tilespmem:$0x103B0]  }
0x65: {  	v12 =	vld [tilespmem:$0x10280]  }
0x66: {  	v13 =	vld [tilespmem:$0x10290]  }
0x67: {  	v14 =	vld [tilespmem:$0x10370]  }
0x68: {  	v15 =	vld [tilespmem:$0x10380]  }
0x69: {  	v16 =	vld [tilespmem:$0x10360]  }
0x6a: {  	v17 =	vld [tilespmem:$0x10270]  }
0x6b: {  	v18 =	vld [tilespmem:$0x10350]  }
0x6c: {  	v52 =	vld [tilespmem:$0x10250]  }
0x6d: {  	v53 =	vld [tilespmem:$0x10340]  }
0x6e: {  	v55 =	vld [tilespmem:$0x10240];
	v8 =	vadd.f32 v8, v13  }
0x6f: {  	v56 =	vld [tilespmem:$0x10330];
	v7 =	vadd.f32 v7, v10  }
0x70: {  	v57 =	vld [tilespmem:$0x10260];
	v54 =	vadd.f32 v11, v9;
	[tilespmem:$0x10490] =	vst v8  }
0x71: {  	v58 =	vld [tilespmem:$0x10200];
	v5 =	vadd.f32 v5, v6;
	[tilespmem:$0x104A0] =	vst v7  }
0x72: {  	v59 =	vld [tilespmem:$0x10220];
	v12 =	vadd.f32 v15, v12;
	[tilespmem:$0x104B0] =	vst v54  }
0x73: {  	v60 =	vld [tilespmem:$0x10310];
	v3 =	vadd.f32 v3, v4;
	[tilespmem:$0x104C0] =	vst v5  }
0x74: {  	v1 =	vadd.f32 v1, v2;
	v2 =	vld [tilespmem:$0x10320];
	[tilespmem:$0x10480] =	vst v12  }
0x75: {  	v13 =	vadd.f32 v18, v52;
	[tilespmem:$0x104D0] =	vst v3;
	v3 =	vld [tilespmem:$0x10230]  }
0x76: {  	v6 =	vadd.f32 v16, v57;
	[tilespmem:$0x104E0] =	vst v1;
	v1 =	vld [tilespmem:$0x102F0]  }
0x77: {  	v62 =	vld [tilespmem:$0x10300];
	v61 =	vadd.f32 v53, v55;
	[tilespmem:$0x10450] =	vst v13  }
0x78: {  	v63 =	vld [tilespmem:$0x10210];
	v14 =	vadd.f32 v14, v17;
	[tilespmem:$0x10460] =	vst v6  }
0x79: {  	[tilespmem:$0x10440] =	vst v61;
	v2 =	vadd.f32 v2, v59  }
0x7a: {  	[tilespmem:$0x10470] =	vst v14;
	v3 =	vadd.f32 v56, v3  }
0x7b: {  	[tilespmem:$0x10420] =	vst v2;
	v0 =	vadd.f32 v0, v1  }
0x7c: {  	v1 =	vadd.f32 v62, v58;
	[tilespmem:$0x10430] =	vst v3  }
0x7d: {  	v2 =	vadd.f32 v60, v63;
	[tilespmem:$0x104F0] =	vst v0  }
0x7e: {  	[tilespmem:$0x10400] =	vst v1  }
0x7f: {  	[tilespmem:$0x10410] =	vst v2  }
0x80: {  	[hbm4b:s18+s2] =	stream.linear.scatter [tilespmem:s20], [sflag:$0x4], $0x100, $0x38;
	[tilespmem:$0x166E0] =	vst v63  }
0x81: {  	_ =	swait.ge [sflag:s3], $0x100  }
0x82: {  	[sflag:s3] =	ssyncset.done $0x0  }
0x83: {  	s1 =	rddreg [dreg:$0x7];
	[sflag:s3] =	ssyncadd.s32 $0xFFFFFF00  }
0x84: {  	[tilespmem:s2], [sflag:$0x4] =	stream.linear.gather [hbm4b:s1+s2], $0x100, $0x38;
	[tilespmem:$0x166E0] =	vst v63  }
0x85: {  	_ =	swait.ge [sflag:s3], $0x100  }
0x86: {  	[sflag:s3] =	ssyncset.done $0x0  }
0x87: {  	s1 =	rddreg [dreg:$0x8];
	[sflag:s3] =	ssyncadd.s32 $0xFFFFFF00  }
0x88: {  	[tilespmem:s8], [sflag:$0x4] =	stream.linear.gather [hbm4b:s1+s2], $0x100, $0x38;
	[tilespmem:$0x166E0] =	vst v63  }
0x89: {  	_ =	swait.ge [sflag:s3], $0x100  }
0x8a: {  	[sflag:s3] =	ssyncset.done $0x0  }
0x8b: {  	[sflag:s3] =	ssyncadd.s32 $0xFFFFFF00  }
0x8c: {  	[tilespmem:s10], [sflag:$0x1] =	stream.indirect.gather [hbm4b:s4+s9], $0x80, s2, s9, $0xb8;
	[tilespmem:$0x166E0] =	vst v63  }
0x8d: {  	_ = 	snop  }
0x8e: {  	[tilespmem:s11], [sflag:$0x1] =	stream.indirect.gather [hbm4b:s4+s9], $0x80, s9, s9, $0xb8;
	[tilespmem:$0x166E0] =	vst v63  }
0x8f: {  	_ = 	snop  }
0x90: {  	[tilespmem:s12], [sflag:$0x1] =	stream.indirect.gather [hbm4b:s5+s9], $0x80, s8, s9, $0xb8;
	[tilespmem:$0x166E0] =	vst v63  }
0x91: {  	_ = 	snop  }
0x92: {  	[tilespmem:s14], [sflag:$0x1] =	stream.indirect.gather [hbm4b:s5+s9], $0x80, s13, s9, $0xb8;
	[tilespmem:$0x166E0] =	vst v63  }
0x93: {  	s1 =	rddreg [dreg:$0x9]  }
0x94: {  	[tilespmem:s15], [sflag:$0x4] =	stream.linear.gather [hbm4b:s1+s2], $0x1870, $0x38;
	[tilespmem:$0x166E0] =	vst v63  }
0x95: {  	_ =	swait.ge [sflag:s3], $0x1870  }
0x96: {  	[sflag:s3] =	ssyncset.done $0x0  }
0x97: {  	s1 =	rddreg [dreg:$0xa];
	[sflag:s3] =	ssyncadd.s32 $0xFFFFE790  }
0x98: {  	[tilespmem:s16], [sflag:$0x4] =	stream.linear.gather [hbm4b:s1+s2], $0x1870, $0x38;
	[tilespmem:$0x166E0] =	vst v63  }
0x99: {  	_ =	swait.ge [sflag:s3], $0x1870  }
0x9a: {  	[sflag:s3] =	ssyncset.done $0x0  }
0x9b: {  	s1 =	rddreg [dreg:$0xb];
	[sflag:s3] =	ssyncadd.s32 $0xFFFFE790  }
0x9c: {  	[spmem:s1] =	stream.linear.scatter [tilespmem:s15], [sflag:$0x2], $0x1870, $0x38;
	[tilespmem:$0x166E0] =	vst v63  }
0x9d: {  	_ = 	snop  }
0x9e: {  	[spmem:s17] =	stream.linear.scatter [tilespmem:s16], [sflag:$0x2], $0x1870, $0x38;
	[tilespmem:$0x166E0] =	vst v63  }
0x9f: {  	_ =	swait.ge [sflag:s19], $0x1870  }
0xa0: {  	[sflag:s19] =	ssyncset.done $0x0  }
0xa1: {  	[sflag:s19] =	ssyncadd.s32 $0xFFFFE790  }
0xa2: {  	_ =	swait.ge [sflag:s19], $0x1870  }
0xa3: {  	[sflag:s19] =	ssyncset.done $0x0  }
0xa4: {  	[sflag:s19] =	ssyncadd.s32 $0xFFFFE790  }
0xa5: {  	[bflag:$0x0] =	sbarrier.arrive $0xFFFF  }
0xa6: {  	[tilespmem:s21], [sflag:$0x3] =	stream.indirect.gather [spmem:s6], $0x1, s2, s9, $0xb8;
	[tilespmem:$0x166E0] =	vst v63  }
0xa7: {  	_ = 	snop  }
0xa8: {  	[tilespmem:s22], [sflag:$0x3] =	stream.indirect.gather [spmem:s6], $0x1, s9, s9, $0xb8;
	[tilespmem:$0x166E0] =	vst v63  }
0xa9: {  	_ = 	snop  }
0xaa: {  	[tilespmem:s23], [sflag:$0x3] =	stream.indirect.gather [spmem:s7], $0x1, s8, s9, $0xb8;
	[tilespmem:$0x166E0] =	vst v63  }
0xab: {  	_ = 	snop  }
0xac: {  	[tilespmem:s24], [sflag:$0x3] =	stream.indirect.gather [spmem:s7], $0x1, s13, s9, $0xb8;
	[tilespmem:$0x166E0] =	vst v63  }
0xad: {  	_ =	swait.ge [sflag:s25], $0x4000  }
0xae: {  	[sflag:s25] =	ssyncset.done $0x0  }
0xaf: {  	[sflag:s25] =	ssyncadd.s32 $0xFFFFC000  }
0xb0: {  	_ =	swait.ge [sflag:s25], $0x4000  }
0xb1: {  	[sflag:s25] =	ssyncset.done $0x0  }
0xb2: {  	[sflag:s25] =	ssyncadd.s32 $0xFFFFC000  }
0xb3: {  	_ =	swait.ge [sflag:s25], $0x4000  }
0xb4: {  	[sflag:s25] =	ssyncset.done $0x0  }
0xb5: {  	[sflag:s25] =	ssyncadd.s32 $0xFFFFC000  }
0xb6: {  	_ =	swait.ge [sflag:s25], $0x4000  }
0xb7: {  	[sflag:s25] =	ssyncset.done $0x0  }
0xb8: {  	[sflag:s25] =	ssyncadd.s32 $0xFFFFC000  }
0xb9: {  	[hbm4b:s26+s28] =	stream.strided.scatter [tilespmem:s10], [sflag:$0x4], $0x8000, s29, s28, $0x38;
	[tilespmem:$0x166E0] =	vst v63  }
0xba: {  	_ =	swait.ge [sflag:s3], $0x8000  }
0xbb: {  	[sflag:s3] =	ssyncset.done $0x0  }
0xbc: {  	[sflag:s3] =	ssyncadd.s32 $0xFFFF8000  }
0xbd: {  	[hbm4b:s30+s28] =	stream.strided.scatter [tilespmem:s12], [sflag:$0x4], $0x8000, s29, s28, $0x38;
	[tilespmem:$0x166E0] =	vst v63  }
0xbe: {  	_ =	swait.ge [sflag:s3], $0x8000  }
0xbf: {  	[sflag:s3] =	ssyncset.done $0x0  }
0xc0: {  	[sflag:s3] =	ssyncadd.s32 $0xFFFF8000  }
0xc1: {  	_ =	swait.ge [sflag:s31], $0x80  }
0xc2: {  	[sflag:s31] =	ssyncset.done $0x0  }
0xc3: {  	[sflag:s31] =	ssyncadd.s32 $0xFFFFFF80  }
0xc4: {  	_ =	swait.ge [sflag:s31], $0x80  }
0xc5: {  	[sflag:s31] =	ssyncset.done $0x0  }
0xc6: {  	[sflag:s31] =	ssyncadd.s32 $0xFFFFFF80  }
0xc7: {  	_ =	swait.ge [sflag:s31], $0x80  }
0xc8: {  	[sflag:s31] =	ssyncset.done $0x0  }
0xc9: {  	p0 =	sne.s32 s0, $0x1;
	[sflag:s31] =	ssyncadd.s32 $0xFFFFFF80  }
.Ltmp1:
0xca: {  	_ =	swait.ge [sflag:s31], $0x80;
	(pc) =	sbr.rel @p0 .LBB2_1-.Ltmp1, $4  }
0xcb: {  	[sflag:s31] =	ssyncset.done $0x0  }
0xcc: {  	[sflag:s31] =	ssyncadd.s32 $0xFFFFFF80  }
0xcd: {  	v1 =	vld [tilespmem:$0x103E0]  }
0xce: {  	s0 =	sadd.s32 $0xFFFFFFFF, s0;
	v0 =	vld [tilespmem:$0x103F0]  }
.LBB2_2:
0xcf: {  	v2 =	vld [tilespmem:$0x102E0]  }
0xd0: {  	v3 =	vld [tilespmem:$0x103D0]  }
0xd1: {  	v4 =	vld [tilespmem:$0x102D0]  }
0xd2: {  	v5 =	vld [tilespmem:$0x103C0]  }
0xd3: {  	v6 =	vld [tilespmem:$0x102C0]  }
0xd4: {  	v7 =	vld [tilespmem:$0x103A0]  }
0xd5: {  	v8 =	vld [tilespmem:$0x10390]  }
0xd6: {  	v9 =	vld [tilespmem:$0x102B0]  }
0xd7: {  	v10 =	vld [tilespmem:$0x102A0]  }
0xd8: {  	v11 =	vld [tilespmem:$0x103B0]  }
0xd9: {  	v12 =	vld [tilespmem:$0x10280]  }
0xda: {  	v13 =	vld [tilespmem:$0x10290]  }
0xdb: {  	v14 =	vld [tilespmem:$0x10370]  }
0xdc: {  	v15 =	vld [tilespmem:$0x10380]  }
0xdd: {  	v16 =	vld [tilespmem:$0x10360]  }
0xde: {  	v17 =	vld [tilespmem:$0x10270]  }
0xdf: {  	v18 =	vld [tilespmem:$0x10350]  }
0xe0: {  	v19 =	vld [tilespmem:$0x10250]  }
0xe1: {  	v20 =	vld [tilespmem:$0x10340]  }
0xe2: {  	v46 =	vld [tilespmem:$0x10240];
	v8 =	vadd.f32 v8, v13  }
0xe3: {  	v47 =	vld [tilespmem:$0x10330];
	v7 =	vadd.f32 v7, v10  }
0xe4: {  	v49 =	vld [tilespmem:$0x10260];
	v48 =	vadd.f32 v11, v9;
	[tilespmem:$0x10490] =	vst v8  }
0xe5: {  	v50 =	vld [tilespmem:$0x10200];
	v5 =	vadd.f32 v5, v6;
	[tilespmem:$0x104A0] =	vst v7  }
0xe6: {  	v52 =	vld [tilespmem:$0x10220];
	v51 =	vadd.f32 v15, v12;
	[tilespmem:$0x104B0] =	vst v48  }
0xe7: {  	v53 =	vld [tilespmem:$0x10310];
	v3 =	vadd.f32 v3, v4;
	[tilespmem:$0x104C0] =	vst v5  }
0xe8: {  	v56 =	vld [tilespmem:$0x10230];
	v54 =	vadd.f32 v18, v19;
	[tilespmem:$0x10480] =	vst v51  }
0xe9: {  	v58 =	vld [tilespmem:$0x102F0];
	v1 =	vadd.f32 v1, v2;
	[tilespmem:$0x104D0] =	vst v3  }
0xea: {  	v62 =	vld [tilespmem:$0x10210];
	v57 =	vadd.f32 v16, v49;
	[tilespmem:$0x10450] =	vst v54  }
0xeb: {  	v55 =	vld [tilespmem:$0x10320];
	v59 =	vadd.f32 v20, v46;
	[tilespmem:$0x104E0] =	vst v1  }
0xec: {  	v60 =	vld [tilespmem:$0x10300];
	v61 =	vadd.f32 v14, v17;
	[tilespmem:$0x10460] =	vst v57  }
0xed: {  	v2 =	vadd.f32 v47, v56;
	[tilespmem:$0x10440] =	vst v59  }
0xee: {  	v0 =	vadd.f32 v0, v58;
	[tilespmem:$0x10470] =	vst v61  }
0xef: {  	v63 =	vadd.f32 v53, v62;
	[tilespmem:$0x10430] =	vst v2  }
0xf0: {  	v7 =	vadd.f32 v55, v52;
	[tilespmem:$0x104F0] =	vst v0  }
0xf1: {  	v1 =	vadd.f32 v60, v50;
	[tilespmem:$0x10410] =	vst v63  }
0xf2: {  	[tilespmem:$0x10420] =	vst v7  }
0xf3: {  	[tilespmem:$0x10400] =	vst v1  }
0xf4: {  	[hbm4b:s18+s2] =	stream.linear.scatter [tilespmem:s20], [sflag:$0x4], $0x100, $0x38;
	[tilespmem:$0x166E0] =	vst v63  }
0xf5: {  	_ =	swait.ge [sflag:s3], $0x100  }
0xf6: {  	[sflag:s3] =	ssyncset.done $0x0  }
0xf7: {  	[sflag:s3] =	ssyncadd.s32 $0xFFFFFF00  }
0xf8: {  	_ =	sfence.sel $0x180000  }
0xf9: {  	[bflag:$0x0] =	sbarrier.arrive $0xFFFF  }
0xfa: {  	_ =	strace $0x90000047  }
0xfb: {  	s0 =	stileid.u32;
	[bflag:$0x2] =	sbarrier.arrive $0xFFFF  }
0xfc: {  	p0 =	sne.s32 s0, $0x0;
	s0 =	rddreg [dreg:$0x6]  }
0xfd: {  	s0 =	sadd.s32 @!p0 $0x100000, s0  }
0xfe: {  	[sflag:s0] =	ssyncadd.tile.s32 @!p0 $0x1;
	_ =	shalt  }
.Lfunc_end2:
_tile_overlayer_lowered:
.L_overlay_start_2:
0xff: {  	(tag) =	ssettag $0x2  }
0x100: {  	s0 =	rddreg [dreg:$0x0];
	s2 =	stileid.u32  }
0x101: {  	s1 =	rddreg [dreg:$0x1];
	p0 =	sne.s32 s2, $0x0  }
0x102: {  	s3 =	rddreg [dreg:$0x2];
	[bflag:$0x3] =	sbarrier.arrive $0xFFFF;
	s2 =	simm.s32 @!p0 $0x1C04  }
0x103: {  	[timem:s3], [sflag:s2] =	dma.local @!p0 [hbm:s0], s1  }
0x104: {  	s0 =	simm.s32 @!p0 $0x4  }
0x105: {  	_ =	swait.ge @!p0 [sflag:s0], s1  }
0x106: {  	s1 =	ssub.s32 @!p0 $0x0, s1;
	[sflag:s0] =	ssyncset.done @!p0 $0x0  }
0x107: {  	[sflag:s0] =	ssyncadd.s32 @!p0 s1  }
0x108: {  	[bflag:$0x3] =	sbarrier.arrive $0xFFFF  }
0x109: {  	_ =	shalt  }

</sc_bundles>
